<compile_context>
chip_gen: v7x
topology: tpu7x:2x2x1
jax: 0.10.2.dev20260603
libtpu: 0.0.44.dev20260713+nightly
codegen_flags: <defaults>
</compile_context>

<pallas_src>
import functools

import jax
import jax.numpy as jnp
from jax import lax
from jax.experimental import pallas as pl
from jax.experimental.pallas import tpu as pltpu
from jax.experimental.pallas import tpu_sc as plsc

_NC = 2
_NS = 16
_NW = _NC * _NS
_BL = 4096
_SLOTS = _BL // _NW
_R = 8
_NDMA = _SLOTS // _R


def _sc_body(emb_hbm, out_hbm, stage_v, sem):
    cid = lax.axis_index("c")
    sid = lax.axis_index("s")
    wid = sid * _NC + cid
    base = wid * _SLOTS
    for r in range(_R):
        pltpu.sync_copy(emb_hbm, stage_v.at[r])
    for j in range(_NDMA):
        pltpu.make_async_copy(
            stage_v, out_hbm.at[pl.ds(base + j * _R, _R)], sem
        ).start()
    for j in range(_NDMA):
        pltpu.make_async_copy(
            stage_v, out_hbm.at[pl.ds(base + j * _R, _R)], sem
        ).wait()


def kernel(x, var_emb):
    B, L, D = x.shape
    d_model = var_emb.shape[1]
    emb = var_emb[:D]

    sc_call = functools.partial(
        pl.kernel,
        out_type=jax.ShapeDtypeStruct((_BL, D, d_model), var_emb.dtype),
        mesh=plsc.VectorSubcoreMesh(core_axis_name="c", subcore_axis_name="s"),
        scratch_types=[
            pltpu.VMEM((_R, D, d_model), var_emb.dtype),
            pltpu.SemaphoreType.DMA,
        ],
    )(_sc_body)
    out = sc_call(emb)
    return out.reshape(B, L, D, d_model)

# --- scband reference (transcript-rebuilt; emitter-appended) ---
"""Pipeline reference for scband-variable-embedding-qwen-31516470018548 (READ-ONLY COPY).

The authoritative reference and input builder live on the scoring server;
editing this copy changes nothing except your own understanding.
"""

import jax, jax.numpy as jnp
import numpy as np


def setup_inputs(seed: int = 0) -> dict:
    key = jax.random.key(seed)
    k1, k2 = jax.random.split(key)
    x = jax.random.normal(k1, (4, 1024, 16), dtype=jnp.float32)
    # learned parameter: nn.Embedding(c_in=64, d_model=512) weight table
    var_emb = jax.random.normal(k2, (64, 512), dtype=jnp.float32) * 0.02
    return {"x": x, "var_emb": var_emb}


def reference(x, var_emb):
    # Faithful translation of VariableEmbedding_Qwen.forward:
    #   var_idx = arange(D).view(1,1,D).expand(B,L,D); return emb(var_idx)
    B, L, D = x.shape
    var_idx = jnp.broadcast_to(jnp.arange(D, dtype=jnp.int32).reshape(1, 1, D), (B, L, D))
    out = jnp.take(var_emb, var_idx, axis=0)  # [B, L, D, d_model]
    return out

if __name__ == "__main__":
    import jax
    _d = setup_inputs()
    print(jax.jit(kernel)(*tuple(_d.values())))

</pallas_src>

<mosaic_0001>
#map = affine_map<(d0, d1) -> (0, 0)>
#map1 = affine_map<(d0, d1) -> (0, 0, 0)>
module attributes {stable_mosaic.version = 14 : i64} {
  func.func @_sc_body(%arg0: i32, %arg1: i32, %arg2: memref<16x512xf32, #tpu.memory_space<hbm>>, %arg3: memref<4096x16x512xf32, #tpu.memory_space<hbm>>, %arg4: memref<8x16x512xf32, #tpu.memory_space<vmem>>, %arg5: memref<!tpu.dma_semaphore, #tpu.memory_space<semaphore_mem>>) attributes {dimension_semantics = [#tpu.dimension_semantics<core_parallel>, #tpu.dimension_semantics<subcore_parallel>], iteration_bounds = array<i64: 2, 16>, scalar_prefetch = 0 : i64, scratch_operands = 2 : i64, tpu.core_type = #tpu.core_type<sc_vector_subcore>, window_params = [{transform_indices = #map}, {transform_indices = #map1}]} {
    %mul3A = arith.constant 2 : i32
    %mul3A_0 = arith.muli %arg1, %mul3A : i32
    %add3A = arith.addi %mul3A_0, %arg0 : i32
    %mul3A_1 = arith.constant 128 : i32
    %mul3A_2 = arith.muli %add3A, %mul3A_1 : i32
    %run_scoped3A = arith.constant 0 : i32
    "tpu.region"() ({
      %run_scoped3A_264 = tpu.sem_alloc : memref<!tpu.dma_semaphore, #tpu.memory_space<semaphore_mem>>
      %dma_start3A_265 = arith.constant 0 : i32
      %dma_start3A_266 = arith.constant 0 : i32
      %dma_start3A_267 = tpu.memref_slice %arg4[%run_scoped3A, %dma_start3A_265, %dma_start3A_266] : memref<8x16x512xf32, #tpu.memory_space<vmem>> -> memref<1x16x512xf32, #tpu.memory_space<vmem>>
      %dma_start3A_268 = tpu.memref_squeeze %dma_start3A_267 : memref<1x16x512xf32, #tpu.memory_space<vmem>> -> memref<16x512xf32, #tpu.memory_space<vmem>>
      %dma_start3A_269 = arith.constant 0 : i32
      %dma_start3A_270 = arith.constant 0 : i32
      %dma_start3A_271 = tpu.memref_slice %arg4[%run_scoped3A, %dma_start3A_269, %dma_start3A_270] : memref<8x16x512xf32, #tpu.memory_space<vmem>> -> memref<1x16x512xf32, #tpu.memory_space<vmem>>
      %dma_start3A_272 = tpu.memref_squeeze %dma_start3A_271 : memref<1x16x512xf32, #tpu.memory_space<vmem>> -> memref<16x512xf32, #tpu.memory_space<vmem>>
      tpu.enqueue_dma source(%arg2 : memref<16x512xf32, #tpu.memory_space<hbm>>) target(%dma_start3A_272 : memref<16x512xf32, #tpu.memory_space<vmem>>) target_semaphore(%run_scoped3A_264 : memref<!tpu.dma_semaphore, #tpu.memory_space<semaphore_mem>>)
      %dma_wait3A_273 = arith.constant 0 : i32
      %dma_wait3A_274 = arith.constant 0 : i32
      %dma_wait3A_275 = tpu.memref_slice %arg4[%run_scoped3A, %dma_wait3A_273, %dma_wait3A_274] : memref<8x16x512xf32, #tpu.memory_space<vmem>> -> memref<1x16x512xf32, #tpu.memory_space<vmem>>
      %dma_wait3A_276 = tpu.memref_squeeze %dma_wait3A_275 : memref<1x16x512xf32, #tpu.memory_space<vmem>> -> memref<16x512xf32, #tpu.memory_space<vmem>>
      %dma_wait3A_277 = arith.constant 0 : i32
      %dma_wait3A_278 = arith.constant 0 : i32
      %dma_wait3A_279 = tpu.memref_slice %arg4[%run_scoped3A, %dma_wait3A_277, %dma_wait3A_278] : memref<8x16x512xf32, #tpu.memory_space<vmem>> -> memref<1x16x512xf32, #tpu.memory_space<vmem>>
      %dma_wait3A_280 = tpu.memref_squeeze %dma_wait3A_279 : memref<1x16x512xf32, #tpu.memory_space<vmem>> -> memref<16x512xf32, #tpu.memory_space<vmem>>
      tpu.wait_dma2 semaphore(%run_scoped3A_264 : memref<!tpu.dma_semaphore, #tpu.memory_space<semaphore_mem>>) src(%arg2 : memref<16x512xf32, #tpu.memory_space<hbm>>) dst(%dma_wait3A_280 : memref<16x512xf32, #tpu.memory_space<vmem>>)
      tpu.yield
    }) : () -> ()
    %run_scoped3A_3 = arith.constant 1 : i32
    "tpu.region"() ({
      %run_scoped3A_264 = tpu.sem_alloc : memref<!tpu.dma_semaphore, #tpu.memory_space<semaphore_mem>>
      %dma_start3A_265 = arith.constant 0 : i32
      %dma_start3A_266 = arith.constant 0 : i32
      %dma_start3A_267 = tpu.memref_slice %arg4[%run_scoped3A_3, %dma_start3A_265, %dma_start3A_266] : memref<8x16x512xf32, #tpu.memory_space<vmem>> -> memref<1x16x512xf32, #tpu.memory_space<vmem>>
      %dma_start3A_268 = tpu.memref_squeeze %dma_start3A_267 : memref<1x16x512xf32, #tpu.memory_space<vmem>> -> memref<16x512xf32, #tpu.memory_space<vmem>>
      %dma_start3A_269 = arith.constant 0 : i32
      %dma_start3A_270 = arith.constant 0 : i32
      %dma_start3A_271 = tpu.memref_slice %arg4[%run_scoped3A_3, %dma_start3A_269, %dma_start3A_270] : memref<8x16x512xf32, #tpu.memory_space<vmem>> -> memref<1x16x512xf32, #tpu.memory_space<vmem>>
      %dma_start3A_272 = tpu.memref_squeeze %dma_start3A_271 : memref<1x16x512xf32, #tpu.memory_space<vmem>> -> memref<16x512xf32, #tpu.memory_space<vmem>>
      tpu.enqueue_dma source(%arg2 : memref<16x512xf32, #tpu.memory_space<hbm>>) target(%dma_start3A_272 : memref<16x512xf32, #tpu.memory_space<vmem>>) target_semaphore(%run_scoped3A_264 : memref<!tpu.dma_semaphore, #tpu.memory_space<semaphore_mem>>)
      %dma_wait3A_273 = arith.constant 0 : i32
      %dma_wait3A_274 = arith.constant 0 : i32
      %dma_wait3A_275 = tpu.memref_slice %arg4[%run_scoped3A_3, %dma_wait3A_273, %dma_wait3A_274] : memref<8x16x512xf32, #tpu.memory_space<vmem>> -> memref<1x16x512xf32, #tpu.memory_space<vmem>>
      %dma_wait3A_276 = tpu.memref_squeeze %dma_wait3A_275 : memref<1x16x512xf32, #tpu.memory_space<vmem>> -> memref<16x512xf32, #tpu.memory_space<vmem>>
      %dma_wait3A_277 = arith.constant 0 : i32
      %dma_wait3A_278 = arith.constant 0 : i32
      %dma_wait3A_279 = tpu.memref_slice %arg4[%run_scoped3A_3, %dma_wait3A_277, %dma_wait3A_278] : memref<8x16x512xf32, #tpu.memory_space<vmem>> -> memref<1x16x512xf32, #tpu.memory_space<vmem>>
      %dma_wait3A_280 = tpu.memref_squeeze %dma_wait3A_279 : memref<1x16x512xf32, #tpu.memory_space<vmem>> -> memref<16x512xf32, #tpu.memory_space<vmem>>
      tpu.wait_dma2 semaphore(%run_scoped3A_264 : memref<!tpu.dma_semaphore, #tpu.memory_space<semaphore_mem>>) src(%arg2 : memref<16x512xf32, #tpu.memory_space<hbm>>) dst(%dma_wait3A_280 : memref<16x512xf32, #tpu.memory_space<vmem>>)
      tpu.yield
    }) : () -> ()
    %run_scoped3A_4 = arith.constant 2 : i32
    "tpu.region"() ({
      %run_scoped3A_264 = tpu.sem_alloc : memref<!tpu.dma_semaphore, #tpu.memory_space<semaphore_mem>>
      %dma_start3A_265 = arith.constant 0 : i32
      %dma_start3A_266 = arith.constant 0 : i32
      %dma_start3A_267 = tpu.memref_slice %arg4[%run_scoped3A_4, %dma_start3A_265, %dma_start3A_266] : memref<8x16x512xf32, #tpu.memory_space<vmem>> -> memref<1x16x512xf32, #tpu.memory_space<vmem>>
      %dma_start3A_268 = tpu.memref_squeeze %dma_start3A_267 : memref<1x16x512xf32, #tpu.memory_space<vmem>> -> memref<16x512xf32, #tpu.memory_space<vmem>>
      %dma_start3A_269 = arith.constant 0 : i32
      %dma_start3A_270 = arith.constant 0 : i32
      %dma_start3A_271 = tpu.memref_slice %arg4[%run_scoped3A_4, %dma_start3A_269, %dma_start3A_270] : memref<8x16x512xf32, #tpu.memory_space<vmem>> -> memref<1x16x512xf32, #tpu.memory_space<vmem>>
      %dma_start3A_272 = tpu.memref_squeeze %dma_start3A_271 : memref<1x16x512xf32, #tpu.memory_space<vmem>> -> memref<16x512xf32, #tpu.memory_space<vmem>>
      tpu.enqueue_dma source(%arg2 : memref<16x512xf32, #tpu.memory_space<hbm>>) target(%dma_start3A_272 : memref<16x512xf32, #tpu.memory_space<vmem>>) target_semaphore(%run_scoped3A_264 : memref<!tpu.dma_semaphore, #tpu.memory_space<semaphore_mem>>)
      %dma_wait3A_273 = arith.constant 0 : i32
      %dma_wait3A_274 = arith.constant 0 : i32
      %dma_wait3A_275 = tpu.memref_slice %arg4[%run_scoped3A_4, %dma_wait3A_273, %dma_wait3A_274] : memref<8x16x512xf32, #tpu.memory_space<vmem>> -> memref<1x16x512xf32, #tpu.memory_space<vmem>>
      %dma_wait3A_276 = tpu.memref_squeeze %dma_wait3A_275 : memref<1x16x512xf32, #tpu.memory_space<vmem>> -> memref<16x512xf32, #tpu.memory_space<vmem>>
      %dma_wait3A_277 = arith.constant 0 : i32
      %dma_wait3A_278 = arith.constant 0 : i32
      %dma_wait3A_279 = tpu.memref_slice %arg4[%run_scoped3A_4, %dma_wait3A_277, %dma_wait3A_278] : memref<8x16x512xf32, #tpu.memory_space<vmem>> -> memref<1x16x512xf32, #tpu.memory_space<vmem>>
      %dma_wait3A_280 = tpu.memref_squeeze %dma_wait3A_279 : memref<1x16x512xf32, #tpu.memory_space<vmem>> -> memref<16x512xf32, #tpu.memory_space<vmem>>
      tpu.wait_dma2 semaphore(%run_scoped3A_264 : memref<!tpu.dma_semaphore, #tpu.memory_space<semaphore_mem>>) src(%arg2 : memref<16x512xf32, #tpu.memory_space<hbm>>) dst(%dma_wait3A_280 : memref<16x512xf32, #tpu.memory_space<vmem>>)
      tpu.yield
    }) : () -> ()
    %run_scoped3A_5 = arith.constant 3 : i32
    "tpu.region"() ({
      %run_scoped3A_264 = tpu.sem_alloc : memref<!tpu.dma_semaphore, #tpu.memory_space<semaphore_mem>>
      %dma_start3A_265 = arith.constant 0 : i32
      %dma_start3A_266 = arith.constant 0 : i32
      %dma_start3A_267 = tpu.memref_slice %arg4[%run_scoped3A_5, %dma_start3A_265, %dma_start3A_266] : memref<8x16x512xf32, #tpu.memory_space<vmem>> -> memref<1x16x512xf32, #tpu.memory_space<vmem>>
      %dma_start3A_268 = tpu.memref_squeeze %dma_start3A_267 : memref<1x16x512xf32, #tpu.memory_space<vmem>> -> memref<16x512xf32, #tpu.memory_space<vmem>>
      %dma_start3A_269 = arith.constant 0 : i32
      %dma_start3A_270 = arith.constant 0 : i32
      %dma_start3A_271 = tpu.memref_slice %arg4[%run_scoped3A_5, %dma_start3A_269, %dma_start3A_270] : memref<8x16x512xf32, #tpu.memory_space<vmem>> -> memref<1x16x512xf32, #tpu.memory_space<vmem>>
      %dma_start3A_272 = tpu.memref_squeeze %dma_start3A_271 : memref<1x16x512xf32, #tpu.memory_space<vmem>> -> memref<16x512xf32, #tpu.memory_space<vmem>>
      tpu.enqueue_dma source(%arg2 : memref<16x512xf32, #tpu.memory_space<hbm>>) target(%dma_start3A_272 : memref<16x512xf32, #tpu.memory_space<vmem>>) target_semaphore(%run_scoped3A_264 : memref<!tpu.dma_semaphore, #tpu.memory_space<semaphore_mem>>)
      %dma_wait3A_273 = arith.constant 0 : i32
      %dma_wait3A_274 = arith.constant 0 : i32
      %dma_wait3A_275 = tpu.memref_slice %arg4[%run_scoped3A_5, %dma_wait3A_273, %dma_wait3A_274] : memref<8x16x512xf32, #tpu.memory_space<vmem>> -> memref<1x16x512xf32, #tpu.memory_space<vmem>>
      %dma_wait3A_276 = tpu.memref_squeeze %dma_wait3A_275 : memref<1x16x512xf32, #tpu.memory_space<vmem>> -> memref<16x512xf32, #tpu.memory_space<vmem>>
      %dma_wait3A_277 = arith.constant 0 : i32
      %dma_wait3A_278 = arith.constant 0 : i32
      %dma_wait3A_279 = tpu.memref_slice %arg4[%run_scoped3A_5, %dma_wait3A_277, %dma_wait3A_278] : memref<8x16x512xf32, #tpu.memory_space<vmem>> -> memref<1x16x512xf32, #tpu.memory_space<vmem>>
      %dma_wait3A_280 = tpu.memref_squeeze %dma_wait3A_279 : memref<1x16x512xf32, #tpu.memory_space<vmem>> -> memref<16x512xf32, #tpu.memory_space<vmem>>
      tpu.wait_dma2 semaphore(%run_scoped3A_264 : memref<!tpu.dma_semaphore, #tpu.memory_space<semaphore_mem>>) src(%arg2 : memref<16x512xf32, #tpu.memory_space<hbm>>) dst(%dma_wait3A_280 : memref<16x512xf32, #tpu.memory_space<vmem>>)
      tpu.yield
    }) : () -> ()
    %run_scoped3A_6 = arith.constant 4 : i32
    "tpu.region"() ({
      %run_scoped3A_264 = tpu.sem_alloc : memref<!tpu.dma_semaphore, #tpu.memory_space<semaphore_mem>>
      %dma_start3A_265 = arith.constant 0 : i32
      %dma_start3A_266 = arith.constant 0 : i32
      %dma_start3A_267 = tpu.memref_slice %arg4[%run_scoped3A_6, %dma_start3A_265, %dma_start3A_266] : memref<8x16x512xf32, #tpu.memory_space<vmem>> -> memref<1x16x512xf32, #tpu.memory_space<vmem>>
      %dma_start3A_268 = tpu.memref_squeeze %dma_start3A_267 : memref<1x16x512xf32, #tpu.memory_space<vmem>> -> memref<16x512xf32, #tpu.memory_space<vmem>>
      %dma_start3A_269 = arith.constant 0 : i32
      %dma_start3A_270 = arith.constant 0 : i32
      %dma_start3A_271 = tpu.memref_slice %arg4[%run_scoped3A_6, %dma_start3A_269, %dma_start3A_270] : memref<8x16x512xf32, #tpu.memory_space<vmem>> -> memref<1x16x512xf32, #tpu.memory_space<vmem>>
      %dma_start3A_272 = tpu.memref_squeeze %dma_start3A_271 : memref<1x16x512xf32, #tpu.memory_space<vmem>> -> memref<16x512xf32, #tpu.memory_space<vmem>>
      tpu.enqueue_dma source(%arg2 : memref<16x512xf32, #tpu.memory_space<hbm>>) target(%dma_start3A_272 : memref<16x512xf32, #tpu.memory_space<vmem>>) target_semaphore(%run_scoped3A_264 : memref<!tpu.dma_semaphore, #tpu.memory_space<semaphore_mem>>)
      %dma_wait3A_273 = arith.constant 0 : i32
      %dma_wait3A_274 = arith.constant 0 : i32
      %dma_wait3A_275 = tpu.memref_slice %arg4[%run_scoped3A_6, %dma_wait3A_273, %dma_wait3A_274] : memref<8x16x512xf32, #tpu.memory_space<vmem>> -> memref<1x16x512xf32, #tpu.memory_space<vmem>>
      %dma_wait3A_276 = tpu.memref_squeeze %dma_wait3A_275 : memref<1x16x512xf32, #tpu.memory_space<vmem>> -> memref<16x512xf32, #tpu.memory_space<vmem>>
      %dma_wait3A_277 = arith.constant 0 : i32
      %dma_wait3A_278 = arith.constant 0 : i32
      %dma_wait3A_279 = tpu.memref_slice %arg4[%run_scoped3A_6, %dma_wait3A_277, %dma_wait3A_278] : memref<8x16x512xf32, #tpu.memory_space<vmem>> -> memref<1x16x512xf32, #tpu.memory_space<vmem>>
      %dma_wait3A_280 = tpu.memref_squeeze %dma_wait3A_279 : memref<1x16x512xf32, #tpu.memory_space<vmem>> -> memref<16x512xf32, #tpu.memory_space<vmem>>
      tpu.wait_dma2 semaphore(%run_scoped3A_264 : memref<!tpu.dma_semaphore, #tpu.memory_space<semaphore_mem>>) src(%arg2 : memref<16x512xf32, #tpu.memory_space<hbm>>) dst(%dma_wait3A_280 : memref<16x512xf32, #tpu.memory_space<vmem>>)
      tpu.yield
    }) : () -> ()
    %run_scoped3A_7 = arith.constant 5 : i32
    "tpu.region"() ({
      %run_scoped3A_264 = tpu.sem_alloc : memref<!tpu.dma_semaphore, #tpu.memory_space<semaphore_mem>>
      %dma_start3A_265 = arith.constant 0 : i32
      %dma_start3A_266 = arith.constant 0 : i32
      %dma_start3A_267 = tpu.memref_slice %arg4[%run_scoped3A_7, %dma_start3A_265, %dma_start3A_266] : memref<8x16x512xf32, #tpu.memory_space<vmem>> -> memref<1x16x512xf32, #tpu.memory_space<vmem>>
      %dma_start3A_268 = tpu.memref_squeeze %dma_start3A_267 : memref<1x16x512xf32, #tpu.memory_space<vmem>> -> memref<16x512xf32, #tpu.memory_space<vmem>>
      %dma_start3A_269 = arith.constant 0 : i32
      %dma_start3A_270 = arith.constant 0 : i32
      %dma_start3A_271 = tpu.memref_slice %arg4[%run_scoped3A_7, %dma_start3A_269, %dma_start3A_270] : memref<8x16x512xf32, #tpu.memory_space<vmem>> -> memref<1x16x512xf32, #tpu.memory_space<vmem>>
      %dma_start3A_272 = tpu.memref_squeeze %dma_start3A_271 : memref<1x16x512xf32, #tpu.memory_space<vmem>> -> memref<16x512xf32, #tpu.memory_space<vmem>>
      tpu.enqueue_dma source(%arg2 : memref<16x512xf32, #tpu.memory_space<hbm>>) target(%dma_start3A_272 : memref<16x512xf32, #tpu.memory_space<vmem>>) target_semaphore(%run_scoped3A_264 : memref<!tpu.dma_semaphore, #tpu.memory_space<semaphore_mem>>)
      %dma_wait3A_273 = arith.constant 0 : i32
      %dma_wait3A_274 = arith.constant 0 : i32
      %dma_wait3A_275 = tpu.memref_slice %arg4[%run_scoped3A_7, %dma_wait3A_273, %dma_wait3A_274] : memref<8x16x512xf32, #tpu.memory_space<vmem>> -> memref<1x16x512xf32, #tpu.memory_space<vmem>>
      %dma_wait3A_276 = tpu.memref_squeeze %dma_wait3A_275 : memref<1x16x512xf32, #tpu.memory_space<vmem>> -> memref<16x512xf32, #tpu.memory_space<vmem>>
      %dma_wait3A_277 = arith.constant 0 : i32
      %dma_wait3A_278 = arith.constant 0 : i32
      %dma_wait3A_279 = tpu.memref_slice %arg4[%run_scoped3A_7, %dma_wait3A_277, %dma_wait3A_278] : memref<8x16x512xf32, #tpu.memory_space<vmem>> -> memref<1x16x512xf32, #tpu.memory_space<vmem>>
      %dma_wait3A_280 = tpu.memref_squeeze %dma_wait3A_279 : memref<1x16x512xf32, #tpu.memory_space<vmem>> -> memref<16x512xf32, #tpu.memory_space<vmem>>
      tpu.wait_dma2 semaphore(%run_scoped3A_264 : memref<!tpu.dma_semaphore, #tpu.memory_space<semaphore_mem>>) src(%arg2 : memref<16x512xf32, #tpu.memory_space<hbm>>) dst(%dma_wait3A_280 : memref<16x512xf32, #tpu.memory_space<vmem>>)
      tpu.yield
    }) : () -> ()
    %run_scoped3A_8 = arith.constant 6 : i32
    "tpu.region"() ({
      %run_scoped3A_264 = tpu.sem_alloc : memref<!tpu.dma_semaphore, #tpu.memory_space<semaphore_mem>>
      %dma_start3A_265 = arith.constant 0 : i32
      %dma_start3A_266 = arith.constant 0 : i32
      %dma_start3A_267 = tpu.memref_slice %arg4[%run_scoped3A_8, %dma_start3A_265, %dma_start3A_266] : memref<8x16x512xf32, #tpu.memory_space<vmem>> -> memref<1x16x512xf32, #tpu.memory_space<vmem>>
      %dma_start3A_268 = tpu.memref_squeeze %dma_start3A_267 : memref<1x16x512xf32, #tpu.memory_space<vmem>> -> memref<16x512xf32, #tpu.memory_space<vmem>>
      %dma_start3A_269 = arith.constant 0 : i32
      %dma_start3A_270 = arith.constant 0 : i32
      %dma_start3A_271 = tpu.memref_slice %arg4[%run_scoped3A_8, %dma_start3A_269, %dma_start3A_270] : memref<8x16x512xf32, #tpu.memory_space<vmem>> -> memref<1x16x512xf32, #tpu.memory_space<vmem>>
      %dma_start3A_272 = tpu.memref_squeeze %dma_start3A_271 : memref<1x16x512xf32, #tpu.memory_space<vmem>> -> memref<16x512xf32, #tpu.memory_space<vmem>>
      tpu.enqueue_dma source(%arg2 : memref<16x512xf32, #tpu.memory_space<hbm>>) target(%dma_start3A_272 : memref<16x512xf32, #tpu.memory_space<vmem>>) target_semaphore(%run_scoped3A_264 : memref<!tpu.dma_semaphore, #tpu.memory_space<semaphore_mem>>)
      %dma_wait3A_273 = arith.constant 0 : i32
      %dma_wait3A_274 = arith.constant 0 : i32
      %dma_wait3A_275 = tpu.memref_slice %arg4[%run_scoped3A_8, %dma_wait3A_273, %dma_wait3A_274] : memref<8x16x512xf32, #tpu.memory_space<vmem>> -> memref<1x16x512xf32, #tpu.memory_space<vmem>>
      %dma_wait3A_276 = tpu.memref_squeeze %dma_wait3A_275 : memref<1x16x512xf32, #tpu.memory_space<vmem>> -> memref<16x512xf32, #tpu.memory_space<vmem>>
      %dma_wait3A_277 = arith.constant 0 : i32
      %dma_wait3A_278 = arith.constant 0 : i32
      %dma_wait3A_279 = tpu.memref_slice %arg4[%run_scoped3A_8, %dma_wait3A_277, %dma_wait3A_278] : memref<8x16x512xf32, #tpu.memory_space<vmem>> -> memref<1x16x512xf32, #tpu.memory_space<vmem>>
      %dma_wait3A_280 = tpu.memref_squeeze %dma_wait3A_279 : memref<1x16x512xf32, #tpu.memory_space<vmem>> -> memref<16x512xf32, #tpu.memory_space<vmem>>
      tpu.wait_dma2 semaphore(%run_scoped3A_264 : memref<!tpu.dma_semaphore, #tpu.memory_space<semaphore_mem>>) src(%arg2 : memref<16x512xf32, #tpu.memory_space<hbm>>) dst(%dma_wait3A_280 : memref<16x512xf32, #tpu.memory_space<vmem>>)
      tpu.yield
    }) : () -> ()
    %run_scoped3A_9 = arith.constant 7 : i32
    "tpu.region"() ({
      %run_scoped3A_264 = tpu.sem_alloc : memref<!tpu.dma_semaphore, #tpu.memory_space<semaphore_mem>>
      %dma_start3A_265 = arith.constant 0 : i32
      %dma_start3A_266 = arith.constant 0 : i32
      %dma_start3A_267 = tpu.memref_slice %arg4[%run_scoped3A_9, %dma_start3A_265, %dma_start3A_266] : memref<8x16x512xf32, #tpu.memory_space<vmem>> -> memref<1x16x512xf32, #tpu.memory_space<vmem>>
      %dma_start3A_268 = tpu.memref_squeeze %dma_start3A_267 : memref<1x16x512xf32, #tpu.memory_space<vmem>> -> memref<16x512xf32, #tpu.memory_space<vmem>>
      %dma_start3A_269 = arith.constant 0 : i32
      %dma_start3A_270 = arith.constant 0 : i32
      %dma_start3A_271 = tpu.memref_slice %arg4[%run_scoped3A_9, %dma_start3A_269, %dma_start3A_270] : memref<8x16x512xf32, #tpu.memory_space<vmem>> -> memref<1x16x512xf32, #tpu.memory_space<vmem>>
      %dma_start3A_272 = tpu.memref_squeeze %dma_start3A_271 : memref<1x16x512xf32, #tpu.memory_space<vmem>> -> memref<16x512xf32, #tpu.memory_space<vmem>>
      tpu.enqueue_dma source(%arg2 : memref<16x512xf32, #tpu.memory_space<hbm>>) target(%dma_start3A_272 : memref<16x512xf32, #tpu.memory_space<vmem>>) target_semaphore(%run_scoped3A_264 : memref<!tpu.dma_semaphore, #tpu.memory_space<semaphore_mem>>)
      %dma_wait3A_273 = arith.constant 0 : i32
      %dma_wait3A_274 = arith.constant 0 : i32
      %dma_wait3A_275 = tpu.memref_slice %arg4[%run_scoped3A_9, %dma_wait3A_273, %dma_wait3A_274] : memref<8x16x512xf32, #tpu.memory_space<vmem>> -> memref<1x16x512xf32, #tpu.memory_space<vmem>>
      %dma_wait3A_276 = tpu.memref_squeeze %dma_wait3A_275 : memref<1x16x512xf32, #tpu.memory_space<vmem>> -> memref<16x512xf32, #tpu.memory_space<vmem>>
      %dma_wait3A_277 = arith.constant 0 : i32
      %dma_wait3A_278 = arith.constant 0 : i32
      %dma_wait3A_279 = tpu.memref_slice %arg4[%run_scoped3A_9, %dma_wait3A_277, %dma_wait3A_278] : memref<8x16x512xf32, #tpu.memory_space<vmem>> -> memref<1x16x512xf32, #tpu.memory_space<vmem>>
      %dma_wait3A_280 = tpu.memref_squeeze %dma_wait3A_279 : memref<1x16x512xf32, #tpu.memory_space<vmem>> -> memref<16x512xf32, #tpu.memory_space<vmem>>
      tpu.wait_dma2 semaphore(%run_scoped3A_264 : memref<!tpu.dma_semaphore, #tpu.memory_space<semaphore_mem>>) src(%arg2 : memref<16x512xf32, #tpu.memory_space<hbm>>) dst(%dma_wait3A_280 : memref<16x512xf32, #tpu.memory_space<vmem>>)
      tpu.yield
    }) : () -> ()
    %add3A_10 = arith.constant 0 : i32
    %add3A_11 = arith.addi %mul3A_2, %add3A_10 : i32
    %dma_start3A = arith.constant 0 : i32
    %dma_start3A_12 = arith.constant 0 : i32
    %dma_start3A_13 = tpu.memref_slice %arg3[%add3A_11, %dma_start3A, %dma_start3A_12] : memref<4096x16x512xf32, #tpu.memory_space<hbm>> -> memref<8x16x512xf32, #tpu.memory_space<hbm>>
    %dma_start3A_14 = arith.constant 0 : i32
    %dma_start3A_15 = arith.constant 0 : i32
    %dma_start3A_16 = tpu.memref_slice %arg3[%add3A_11, %dma_start3A_14, %dma_start3A_15] : memref<4096x16x512xf32, #tpu.memory_space<hbm>> -> memref<8x16x512xf32, #tpu.memory_space<hbm>>
    tpu.enqueue_dma source(%arg4 : memref<8x16x512xf32, #tpu.memory_space<vmem>>) target(%dma_start3A_16 : memref<8x16x512xf32, #tpu.memory_space<hbm>>) target_semaphore(%arg5 : memref<!tpu.dma_semaphore, #tpu.memory_space<semaphore_mem>>)
    %add3A_17 = arith.constant 8 : i32
    %add3A_18 = arith.addi %mul3A_2, %add3A_17 : i32
    %dma_start3A_19 = arith.constant 0 : i32
    %dma_start3A_20 = arith.constant 0 : i32
    %dma_start3A_21 = tpu.memref_slice %arg3[%add3A_18, %dma_start3A_19, %dma_start3A_20] : memref<4096x16x512xf32, #tpu.memory_space<hbm>> -> memref<8x16x512xf32, #tpu.memory_space<hbm>>
    %dma_start3A_22 = arith.constant 0 : i32
    %dma_start3A_23 = arith.constant 0 : i32
    %dma_start3A_24 = tpu.memref_slice %arg3[%add3A_18, %dma_start3A_22, %dma_start3A_23] : memref<4096x16x512xf32, #tpu.memory_space<hbm>> -> memref<8x16x512xf32, #tpu.memory_space<hbm>>
    tpu.enqueue_dma source(%arg4 : memref<8x16x512xf32, #tpu.memory_space<vmem>>) target(%dma_start3A_24 : memref<8x16x512xf32, #tpu.memory_space<hbm>>) target_semaphore(%arg5 : memref<!tpu.dma_semaphore, #tpu.memory_space<semaphore_mem>>)
    %add3A_25 = arith.constant 16 : i32
    %add3A_26 = arith.addi %mul3A_2, %add3A_25 : i32
    %dma_start3A_27 = arith.constant 0 : i32
    %dma_start3A_28 = arith.constant 0 : i32
    %dma_start3A_29 = tpu.memref_slice %arg3[%add3A_26, %dma_start3A_27, %dma_start3A_28] : memref<4096x16x512xf32, #tpu.memory_space<hbm>> -> memref<8x16x512xf32, #tpu.memory_space<hbm>>
    %dma_start3A_30 = arith.constant 0 : i32
    %dma_start3A_31 = arith.constant 0 : i32
    %dma_start3A_32 = tpu.memref_slice %arg3[%add3A_26, %dma_start3A_30, %dma_start3A_31] : memref<4096x16x512xf32, #tpu.memory_space<hbm>> -> memref<8x16x512xf32, #tpu.memory_space<hbm>>
    tpu.enqueue_dma source(%arg4 : memref<8x16x512xf32, #tpu.memory_space<vmem>>) target(%dma_start3A_32 : memref<8x16x512xf32, #tpu.memory_space<hbm>>) target_semaphore(%arg5 : memref<!tpu.dma_semaphore, #tpu.memory_space<semaphore_mem>>)
    %add3A_33 = arith.constant 24 : i32
    %add3A_34 = arith.addi %mul3A_2, %add3A_33 : i32
    %dma_start3A_35 = arith.constant 0 : i32
    %dma_start3A_36 = arith.constant 0 : i32
    %dma_start3A_37 = tpu.memref_slice %arg3[%add3A_34, %dma_start3A_35, %dma_start3A_36] : memref<4096x16x512xf32, #tpu.memory_space<hbm>> -> memref<8x16x512xf32, #tpu.memory_space<hbm>>
    %dma_start3A_38 = arith.constant 0 : i32
    %dma_start3A_39 = arith.constant 0 : i32
    %dma_start3A_40 = tpu.memref_slice %arg3[%add3A_34, %dma_start3A_38, %dma_start3A_39] : memref<4096x16x512xf32, #tpu.memory_space<hbm>> -> memref<8x16x512xf32, #tpu.memory_space<hbm>>
    tpu.enqueue_dma source(%arg4 : memref<8x16x512xf32, #tpu.memory_space<vmem>>) target(%dma_start3A_40 : memref<8x16x512xf32, #tpu.memory_space<hbm>>) target_semaphore(%arg5 : memref<!tpu.dma_semaphore, #tpu.memory_space<semaphore_mem>>)
    %add3A_41 = arith.constant 32 : i32
    %add3A_42 = arith.addi %mul3A_2, %add3A_41 : i32
    %dma_start3A_43 = arith.constant 0 : i32
    %dma_start3A_44 = arith.constant 0 : i32
    %dma_start3A_45 = tpu.memref_slice %arg3[%add3A_42, %dma_start3A_43, %dma_start3A_44] : memref<4096x16x512xf32, #tpu.memory_space<hbm>> -> memref<8x16x512xf32, #tpu.memory_space<hbm>>
    %dma_start3A_46 = arith.constant 0 : i32
    %dma_start3A_47 = arith.constant 0 : i32
    %dma_start3A_48 = tpu.memref_slice %arg3[%add3A_42, %dma_start3A_46, %dma_start3A_47] : memref<4096x16x512xf32, #tpu.memory_space<hbm>> -> memref<8x16x512xf32, #tpu.memory_space<hbm>>
    tpu.enqueue_dma source(%arg4 : memref<8x16x512xf32, #tpu.memory_space<vmem>>) target(%dma_start3A_48 : memref<8x16x512xf32, #tpu.memory_space<hbm>>) target_semaphore(%arg5 : memref<!tpu.dma_semaphore, #tpu.memory_space<semaphore_mem>>)
    %add3A_49 = arith.constant 40 : i32
    %add3A_50 = arith.addi %mul3A_2, %add3A_49 : i32
    %dma_start3A_51 = arith.constant 0 : i32
    %dma_start3A_52 = arith.constant 0 : i32
    %dma_start3A_53 = tpu.memref_slice %arg3[%add3A_50, %dma_start3A_51, %dma_start3A_52] : memref<4096x16x512xf32, #tpu.memory_space<hbm>> -> memref<8x16x512xf32, #tpu.memory_space<hbm>>
    %dma_start3A_54 = arith.constant 0 : i32
    %dma_start3A_55 = arith.constant 0 : i32
    %dma_start3A_56 = tpu.memref_slice %arg3[%add3A_50, %dma_start3A_54, %dma_start3A_55] : memref<4096x16x512xf32, #tpu.memory_space<hbm>> -> memref<8x16x512xf32, #tpu.memory_space<hbm>>
    tpu.enqueue_dma source(%arg4 : memref<8x16x512xf32, #tpu.memory_space<vmem>>) target(%dma_start3A_56 : memref<8x16x512xf32, #tpu.memory_space<hbm>>) target_semaphore(%arg5 : memref<!tpu.dma_semaphore, #tpu.memory_space<semaphore_mem>>)
    %add3A_57 = arith.constant 48 : i32
    %add3A_58 = arith.addi %mul3A_2, %add3A_57 : i32
    %dma_start3A_59 = arith.constant 0 : i32
    %dma_start3A_60 = arith.constant 0 : i32
    %dma_start3A_61 = tpu.memref_slice %arg3[%add3A_58, %dma_start3A_59, %dma_start3A_60] : memref<4096x16x512xf32, #tpu.memory_space<hbm>> -> memref<8x16x512xf32, #tpu.memory_space<hbm>>
    %dma_start3A_62 = arith.constant 0 : i32
    %dma_start3A_63 = arith.constant 0 : i32
    %dma_start3A_64 = tpu.memref_slice %arg3[%add3A_58, %dma_start3A_62, %dma_start3A_63] : memref<4096x16x512xf32, #tpu.memory_space<hbm>> -> memref<8x16x512xf32, #tpu.memory_space<hbm>>
    tpu.enqueue_dma source(%arg4 : memref<8x16x512xf32, #tpu.memory_space<vmem>>) target(%dma_start3A_64 : memref<8x16x512xf32, #tpu.memory_space<hbm>>) target_semaphore(%arg5 : memref<!tpu.dma_semaphore, #tpu.memory_space<semaphore_mem>>)
    %add3A_65 = arith.constant 56 : i32
    %add3A_66 = arith.addi %mul3A_2, %add3A_65 : i32
    %dma_start3A_67 = arith.constant 0 : i32
    %dma_start3A_68 = arith.constant 0 : i32
    %dma_start3A_69 = tpu.memref_slice %arg3[%add3A_66, %dma_start3A_67, %dma_start3A_68] : memref<4096x16x512xf32, #tpu.memory_space<hbm>> -> memref<8x16x512xf32, #tpu.memory_space<hbm>>
    %dma_start3A_70 = arith.constant 0 : i32
    %dma_start3A_71 = arith.constant 0 : i32
    %dma_start3A_72 = tpu.memref_slice %arg3[%add3A_66, %dma_start3A_70, %dma_start3A_71] : memref<4096x16x512xf32, #tpu.memory_space<hbm>> -> memref<8x16x512xf32, #tpu.memory_space<hbm>>
    tpu.enqueue_dma source(%arg4 : memref<8x16x512xf32, #tpu.memory_space<vmem>>) target(%dma_start3A_72 : memref<8x16x512xf32, #tpu.memory_space<hbm>>) target_semaphore(%arg5 : memref<!tpu.dma_semaphore, #tpu.memory_space<semaphore_mem>>)
    %add3A_73 = arith.constant 64 : i32
    %add3A_74 = arith.addi %mul3A_2, %add3A_73 : i32
    %dma_start3A_75 = arith.constant 0 : i32
    %dma_start3A_76 = arith.constant 0 : i32
    %dma_start3A_77 = tpu.memref_slice %arg3[%add3A_74, %dma_start3A_75, %dma_start3A_76] : memref<4096x16x512xf32, #tpu.memory_space<hbm>> -> memref<8x16x512xf32, #tpu.memory_space<hbm>>
    %dma_start3A_78 = arith.constant 0 : i32
    %dma_start3A_79 = arith.constant 0 : i32
    %dma_start3A_80 = tpu.memref_slice %arg3[%add3A_74, %dma_start3A_78, %dma_start3A_79] : memref<4096x16x512xf32, #tpu.memory_space<hbm>> -> memref<8x16x512xf32, #tpu.memory_space<hbm>>
    tpu.enqueue_dma source(%arg4 : memref<8x16x512xf32, #tpu.memory_space<vmem>>) target(%dma_start3A_80 : memref<8x16x512xf32, #tpu.memory_space<hbm>>) target_semaphore(%arg5 : memref<!tpu.dma_semaphore, #tpu.memory_space<semaphore_mem>>)
    %add3A_81 = arith.constant 72 : i32
    %add3A_82 = arith.addi %mul3A_2, %add3A_81 : i32
    %dma_start3A_83 = arith.constant 0 : i32
    %dma_start3A_84 = arith.constant 0 : i32
    %dma_start3A_85 = tpu.memref_slice %arg3[%add3A_82, %dma_start3A_83, %dma_start3A_84] : memref<4096x16x512xf32, #tpu.memory_space<hbm>> -> memref<8x16x512xf32, #tpu.memory_space<hbm>>
    %dma_start3A_86 = arith.constant 0 : i32
    %dma_start3A_87 = arith.constant 0 : i32
    %dma_start3A_88 = tpu.memref_slice %arg3[%add3A_82, %dma_start3A_86, %dma_start3A_87] : memref<4096x16x512xf32, #tpu.memory_space<hbm>> -> memref<8x16x512xf32, #tpu.memory_space<hbm>>
    tpu.enqueue_dma source(%arg4 : memref<8x16x512xf32, #tpu.memory_space<vmem>>) target(%dma_start3A_88 : memref<8x16x512xf32, #tpu.memory_space<hbm>>) target_semaphore(%arg5 : memref<!tpu.dma_semaphore, #tpu.memory_space<semaphore_mem>>)
    %add3A_89 = arith.constant 80 : i32
    %add3A_90 = arith.addi %mul3A_2, %add3A_89 : i32
    %dma_start3A_91 = arith.constant 0 : i32
    %dma_start3A_92 = arith.constant 0 : i32
    %dma_start3A_93 = tpu.memref_slice %arg3[%add3A_90, %dma_start3A_91, %dma_start3A_92] : memref<4096x16x512xf32, #tpu.memory_space<hbm>> -> memref<8x16x512xf32, #tpu.memory_space<hbm>>
    %dma_start3A_94 = arith.constant 0 : i32
    %dma_start3A_95 = arith.constant 0 : i32
    %dma_start3A_96 = tpu.memref_slice %arg3[%add3A_90, %dma_start3A_94, %dma_start3A_95] : memref<4096x16x512xf32, #tpu.memory_space<hbm>> -> memref<8x16x512xf32, #tpu.memory_space<hbm>>
    tpu.enqueue_dma source(%arg4 : memref<8x16x512xf32, #tpu.memory_space<vmem>>) target(%dma_start3A_96 : memref<8x16x512xf32, #tpu.memory_space<hbm>>) target_semaphore(%arg5 : memref<!tpu.dma_semaphore, #tpu.memory_space<semaphore_mem>>)
    %add3A_97 = arith.constant 88 : i32
    %add3A_98 = arith.addi %mul3A_2, %add3A_97 : i32
    %dma_start3A_99 = arith.constant 0 : i32
    %dma_start3A_100 = arith.constant 0 : i32
    %dma_start3A_101 = tpu.memref_slice %arg3[%add3A_98, %dma_start3A_99, %dma_start3A_100] : memref<4096x16x512xf32, #tpu.memory_space<hbm>> -> memref<8x16x512xf32, #tpu.memory_space<hbm>>
    %dma_start3A_102 = arith.constant 0 : i32
    %dma_start3A_103 = arith.constant 0 : i32
    %dma_start3A_104 = tpu.memref_slice %arg3[%add3A_98, %dma_start3A_102, %dma_start3A_103] : memref<4096x16x512xf32, #tpu.memory_space<hbm>> -> memref<8x16x512xf32, #tpu.memory_space<hbm>>
    tpu.enqueue_dma source(%arg4 : memref<8x16x512xf32, #tpu.memory_space<vmem>>) target(%dma_start3A_104 : memref<8x16x512xf32, #tpu.memory_space<hbm>>) target_semaphore(%arg5 : memref<!tpu.dma_semaphore, #tpu.memory_space<semaphore_mem>>)
    %add3A_105 = arith.constant 96 : i32
    %add3A_106 = arith.addi %mul3A_2, %add3A_105 : i32
    %dma_start3A_107 = arith.constant 0 : i32
    %dma_start3A_108 = arith.constant 0 : i32
    %dma_start3A_109 = tpu.memref_slice %arg3[%add3A_106, %dma_start3A_107, %dma_start3A_108] : memref<4096x16x512xf32, #tpu.memory_space<hbm>> -> memref<8x16x512xf32, #tpu.memory_space<hbm>>
    %dma_start3A_110 = arith.constant 0 : i32
    %dma_start3A_111 = arith.constant 0 : i32
    %dma_start3A_112 = tpu.memref_slice %arg3[%add3A_106, %dma_start3A_110, %dma_start3A_111] : memref<4096x16x512xf32, #tpu.memory_space<hbm>> -> memref<8x16x512xf32, #tpu.memory_space<hbm>>
    tpu.enqueue_dma source(%arg4 : memref<8x16x512xf32, #tpu.memory_space<vmem>>) target(%dma_start3A_112 : memref<8x16x512xf32, #tpu.memory_space<hbm>>) target_semaphore(%arg5 : memref<!tpu.dma_semaphore, #tpu.memory_space<semaphore_mem>>)
    %add3A_113 = arith.constant 104 : i32
    %add3A_114 = arith.addi %mul3A_2, %add3A_113 : i32
    %dma_start3A_115 = arith.constant 0 : i32
    %dma_start3A_116 = arith.constant 0 : i32
    %dma_start3A_117 = tpu.memref_slice %arg3[%add3A_114, %dma_start3A_115, %dma_start3A_116] : memref<4096x16x512xf32, #tpu.memory_space<hbm>> -> memref<8x16x512xf32, #tpu.memory_space<hbm>>
    %dma_start3A_118 = arith.constant 0 : i32
    %dma_start3A_119 = arith.constant 0 : i32
    %dma_start3A_120 = tpu.memref_slice %arg3[%add3A_114, %dma_start3A_118, %dma_start3A_119] : memref<4096x16x512xf32, #tpu.memory_space<hbm>> -> memref<8x16x512xf32, #tpu.memory_space<hbm>>
    tpu.enqueue_dma source(%arg4 : memref<8x16x512xf32, #tpu.memory_space<vmem>>) target(%dma_start3A_120 : memref<8x16x512xf32, #tpu.memory_space<hbm>>) target_semaphore(%arg5 : memref<!tpu.dma_semaphore, #tpu.memory_space<semaphore_mem>>)
    %add3A_121 = arith.constant 112 : i32
    %add3A_122 = arith.addi %mul3A_2, %add3A_121 : i32
    %dma_start3A_123 = arith.constant 0 : i32
    %dma_start3A_124 = arith.constant 0 : i32
    %dma_start3A_125 = tpu.memref_slice %arg3[%add3A_122, %dma_start3A_123, %dma_start3A_124] : memref<4096x16x512xf32, #tpu.memory_space<hbm>> -> memref<8x16x512xf32, #tpu.memory_space<hbm>>
    %dma_start3A_126 = arith.constant 0 : i32
    %dma_start3A_127 = arith.constant 0 : i32
    %dma_start3A_128 = tpu.memref_slice %arg3[%add3A_122, %dma_start3A_126, %dma_start3A_127] : memref<4096x16x512xf32, #tpu.memory_space<hbm>> -> memref<8x16x512xf32, #tpu.memory_space<hbm>>
    tpu.enqueue_dma source(%arg4 : memref<8x16x512xf32, #tpu.memory_space<vmem>>) target(%dma_start3A_128 : memref<8x16x512xf32, #tpu.memory_space<hbm>>) target_semaphore(%arg5 : memref<!tpu.dma_semaphore, #tpu.memory_space<semaphore_mem>>)
    %add3A_129 = arith.constant 120 : i32
    %add3A_130 = arith.addi %mul3A_2, %add3A_129 : i32
    %dma_start3A_131 = arith.constant 0 : i32
    %dma_start3A_132 = arith.constant 0 : i32
    %dma_start3A_133 = tpu.memref_slice %arg3[%add3A_130, %dma_start3A_131, %dma_start3A_132] : memref<4096x16x512xf32, #tpu.memory_space<hbm>> -> memref<8x16x512xf32, #tpu.memory_space<hbm>>
    %dma_start3A_134 = arith.constant 0 : i32
    %dma_start3A_135 = arith.constant 0 : i32
    %dma_start3A_136 = tpu.memref_slice %arg3[%add3A_130, %dma_start3A_134, %dma_start3A_135] : memref<4096x16x512xf32, #tpu.memory_space<hbm>> -> memref<8x16x512xf32, #tpu.memory_space<hbm>>
    tpu.enqueue_dma source(%arg4 : memref<8x16x512xf32, #tpu.memory_space<vmem>>) target(%dma_start3A_136 : memref<8x16x512xf32, #tpu.memory_space<hbm>>) target_semaphore(%arg5 : memref<!tpu.dma_semaphore, #tpu.memory_space<semaphore_mem>>)
    %add3A_137 = arith.constant 0 : i32
    %add3A_138 = arith.addi %mul3A_2, %add3A_137 : i32
    %dma_wait3A = arith.constant 0 : i32
    %dma_wait3A_139 = arith.constant 0 : i32
    %dma_wait3A_140 = tpu.memref_slice %arg3[%add3A_138, %dma_wait3A, %dma_wait3A_139] : memref<4096x16x512xf32, #tpu.memory_space<hbm>> -> memref<8x16x512xf32, #tpu.memory_space<hbm>>
    %dma_wait3A_141 = arith.constant 0 : i32
    %dma_wait3A_142 = arith.constant 0 : i32
    %dma_wait3A_143 = tpu.memref_slice %arg3[%add3A_138, %dma_wait3A_141, %dma_wait3A_142] : memref<4096x16x512xf32, #tpu.memory_space<hbm>> -> memref<8x16x512xf32, #tpu.memory_space<hbm>>
    tpu.wait_dma2 semaphore(%arg5 : memref<!tpu.dma_semaphore, #tpu.memory_space<semaphore_mem>>) src(%arg4 : memref<8x16x512xf32, #tpu.memory_space<vmem>>) dst(%dma_wait3A_143 : memref<8x16x512xf32, #tpu.memory_space<hbm>>)
    %add3A_144 = arith.constant 8 : i32
    %add3A_145 = arith.addi %mul3A_2, %add3A_144 : i32
    %dma_wait3A_146 = arith.constant 0 : i32
    %dma_wait3A_147 = arith.constant 0 : i32
    %dma_wait3A_148 = tpu.memref_slice %arg3[%add3A_145, %dma_wait3A_146, %dma_wait3A_147] : memref<4096x16x512xf32, #tpu.memory_space<hbm>> -> memref<8x16x512xf32, #tpu.memory_space<hbm>>
    %dma_wait3A_149 = arith.constant 0 : i32
    %dma_wait3A_150 = arith.constant 0 : i32
    %dma_wait3A_151 = tpu.memref_slice %arg3[%add3A_145, %dma_wait3A_149, %dma_wait3A_150] : memref<4096x16x512xf32, #tpu.memory_space<hbm>> -> memref<8x16x512xf32, #tpu.memory_space<hbm>>
    tpu.wait_dma2 semaphore(%arg5 : memref<!tpu.dma_semaphore, #tpu.memory_space<semaphore_mem>>) src(%arg4 : memref<8x16x512xf32, #tpu.memory_space<vmem>>) dst(%dma_wait3A_151 : memref<8x16x512xf32, #tpu.memory_space<hbm>>)
    %add3A_152 = arith.constant 16 : i32
    %add3A_153 = arith.addi %mul3A_2, %add3A_152 : i32
    %dma_wait3A_154 = arith.constant 0 : i32
    %dma_wait3A_155 = arith.constant 0 : i32
    %dma_wait3A_156 = tpu.memref_slice %arg3[%add3A_153, %dma_wait3A_154, %dma_wait3A_155] : memref<4096x16x512xf32, #tpu.memory_space<hbm>> -> memref<8x16x512xf32, #tpu.memory_space<hbm>>
    %dma_wait3A_157 = arith.constant 0 : i32
    %dma_wait3A_158 = arith.constant 0 : i32
    %dma_wait3A_159 = tpu.memref_slice %arg3[%add3A_153, %dma_wait3A_157, %dma_wait3A_158] : memref<4096x16x512xf32, #tpu.memory_space<hbm>> -> memref<8x16x512xf32, #tpu.memory_space<hbm>>
    tpu.wait_dma2 semaphore(%arg5 : memref<!tpu.dma_semaphore, #tpu.memory_space<semaphore_mem>>) src(%arg4 : memref<8x16x512xf32, #tpu.memory_space<vmem>>) dst(%dma_wait3A_159 : memref<8x16x512xf32, #tpu.memory_space<hbm>>)
    %add3A_160 = arith.constant 24 : i32
    %add3A_161 = arith.addi %mul3A_2, %add3A_160 : i32
    %dma_wait3A_162 = arith.constant 0 : i32
    %dma_wait3A_163 = arith.constant 0 : i32
    %dma_wait3A_164 = tpu.memref_slice %arg3[%add3A_161, %dma_wait3A_162, %dma_wait3A_163] : memref<4096x16x512xf32, #tpu.memory_space<hbm>> -> memref<8x16x512xf32, #tpu.memory_space<hbm>>
    %dma_wait3A_165 = arith.constant 0 : i32
    %dma_wait3A_166 = arith.constant 0 : i32
    %dma_wait3A_167 = tpu.memref_slice %arg3[%add3A_161, %dma_wait3A_165, %dma_wait3A_166] : memref<4096x16x512xf32, #tpu.memory_space<hbm>> -> memref<8x16x512xf32, #tpu.memory_space<hbm>>
    tpu.wait_dma2 semaphore(%arg5 : memref<!tpu.dma_semaphore, #tpu.memory_space<semaphore_mem>>) src(%arg4 : memref<8x16x512xf32, #tpu.memory_space<vmem>>) dst(%dma_wait3A_167 : memref<8x16x512xf32, #tpu.memory_space<hbm>>)
    %add3A_168 = arith.constant 32 : i32
    %add3A_169 = arith.addi %mul3A_2, %add3A_168 : i32
    %dma_wait3A_170 = arith.constant 0 : i32
    %dma_wait3A_171 = arith.constant 0 : i32
    %dma_wait3A_172 = tpu.memref_slice %arg3[%add3A_169, %dma_wait3A_170, %dma_wait3A_171] : memref<4096x16x512xf32, #tpu.memory_space<hbm>> -> memref<8x16x512xf32, #tpu.memory_space<hbm>>
    %dma_wait3A_173 = arith.constant 0 : i32
    %dma_wait3A_174 = arith.constant 0 : i32
    %dma_wait3A_175 = tpu.memref_slice %arg3[%add3A_169, %dma_wait3A_173, %dma_wait3A_174] : memref<4096x16x512xf32, #tpu.memory_space<hbm>> -> memref<8x16x512xf32, #tpu.memory_space<hbm>>
    tpu.wait_dma2 semaphore(%arg5 : memref<!tpu.dma_semaphore, #tpu.memory_space<semaphore_mem>>) src(%arg4 : memref<8x16x512xf32, #tpu.memory_space<vmem>>) dst(%dma_wait3A_175 : memref<8x16x512xf32, #tpu.memory_space<hbm>>)
    %add3A_176 = arith.constant 40 : i32
    %add3A_177 = arith.addi %mul3A_2, %add3A_176 : i32
    %dma_wait3A_178 = arith.constant 0 : i32
    %dma_wait3A_179 = arith.constant 0 : i32
    %dma_wait3A_180 = tpu.memref_slice %arg3[%add3A_177, %dma_wait3A_178, %dma_wait3A_179] : memref<4096x16x512xf32, #tpu.memory_space<hbm>> -> memref<8x16x512xf32, #tpu.memory_space<hbm>>
    %dma_wait3A_181 = arith.constant 0 : i32
    %dma_wait3A_182 = arith.constant 0 : i32
    %dma_wait3A_183 = tpu.memref_slice %arg3[%add3A_177, %dma_wait3A_181, %dma_wait3A_182] : memref<4096x16x512xf32, #tpu.memory_space<hbm>> -> memref<8x16x512xf32, #tpu.memory_space<hbm>>
    tpu.wait_dma2 semaphore(%arg5 : memref<!tpu.dma_semaphore, #tpu.memory_space<semaphore_mem>>) src(%arg4 : memref<8x16x512xf32, #tpu.memory_space<vmem>>) dst(%dma_wait3A_183 : memref<8x16x512xf32, #tpu.memory_space<hbm>>)
    %add3A_184 = arith.constant 48 : i32
    %add3A_185 = arith.addi %mul3A_2, %add3A_184 : i32
    %dma_wait3A_186 = arith.constant 0 : i32
    %dma_wait3A_187 = arith.constant 0 : i32
    %dma_wait3A_188 = tpu.memref_slice %arg3[%add3A_185, %dma_wait3A_186, %dma_wait3A_187] : memref<4096x16x512xf32, #tpu.memory_space<hbm>> -> memref<8x16x512xf32, #tpu.memory_space<hbm>>
    %dma_wait3A_189 = arith.constant 0 : i32
    %dma_wait3A_190 = arith.constant 0 : i32
    %dma_wait3A_191 = tpu.memref_slice %arg3[%add3A_185, %dma_wait3A_189, %dma_wait3A_190] : memref<4096x16x512xf32, #tpu.memory_space<hbm>> -> memref<8x16x512xf32, #tpu.memory_space<hbm>>
    tpu.wait_dma2 semaphore(%arg5 : memref<!tpu.dma_semaphore, #tpu.memory_space<semaphore_mem>>) src(%arg4 : memref<8x16x512xf32, #tpu.memory_space<vmem>>) dst(%dma_wait3A_191 : memref<8x16x512xf32, #tpu.memory_space<hbm>>)
    %add3A_192 = arith.constant 56 : i32
    %add3A_193 = arith.addi %mul3A_2, %add3A_192 : i32
    %dma_wait3A_194 = arith.constant 0 : i32
    %dma_wait3A_195 = arith.constant 0 : i32
    %dma_wait3A_196 = tpu.memref_slice %arg3[%add3A_193, %dma_wait3A_194, %dma_wait3A_195] : memref<4096x16x512xf32, #tpu.memory_space<hbm>> -> memref<8x16x512xf32, #tpu.memory_space<hbm>>
    %dma_wait3A_197 = arith.constant 0 : i32
    %dma_wait3A_198 = arith.constant 0 : i32
    %dma_wait3A_199 = tpu.memref_slice %arg3[%add3A_193, %dma_wait3A_197, %dma_wait3A_198] : memref<4096x16x512xf32, #tpu.memory_space<hbm>> -> memref<8x16x512xf32, #tpu.memory_space<hbm>>
    tpu.wait_dma2 semaphore(%arg5 : memref<!tpu.dma_semaphore, #tpu.memory_space<semaphore_mem>>) src(%arg4 : memref<8x16x512xf32, #tpu.memory_space<vmem>>) dst(%dma_wait3A_199 : memref<8x16x512xf32, #tpu.memory_space<hbm>>)
    %add3A_200 = arith.constant 64 : i32
    %add3A_201 = arith.addi %mul3A_2, %add3A_200 : i32
    %dma_wait3A_202 = arith.constant 0 : i32
    %dma_wait3A_203 = arith.constant 0 : i32
    %dma_wait3A_204 = tpu.memref_slice %arg3[%add3A_201, %dma_wait3A_202, %dma_wait3A_203] : memref<4096x16x512xf32, #tpu.memory_space<hbm>> -> memref<8x16x512xf32, #tpu.memory_space<hbm>>
    %dma_wait3A_205 = arith.constant 0 : i32
    %dma_wait3A_206 = arith.constant 0 : i32
    %dma_wait3A_207 = tpu.memref_slice %arg3[%add3A_201, %dma_wait3A_205, %dma_wait3A_206] : memref<4096x16x512xf32, #tpu.memory_space<hbm>> -> memref<8x16x512xf32, #tpu.memory_space<hbm>>
    tpu.wait_dma2 semaphore(%arg5 : memref<!tpu.dma_semaphore, #tpu.memory_space<semaphore_mem>>) src(%arg4 : memref<8x16x512xf32, #tpu.memory_space<vmem>>) dst(%dma_wait3A_207 : memref<8x16x512xf32, #tpu.memory_space<hbm>>)
    %add3A_208 = arith.constant 72 : i32
    %add3A_209 = arith.addi %mul3A_2, %add3A_208 : i32
    %dma_wait3A_210 = arith.constant 0 : i32
    %dma_wait3A_211 = arith.constant 0 : i32
    %dma_wait3A_212 = tpu.memref_slice %arg3[%add3A_209, %dma_wait3A_210, %dma_wait3A_211] : memref<4096x16x512xf32, #tpu.memory_space<hbm>> -> memref<8x16x512xf32, #tpu.memory_space<hbm>>
    %dma_wait3A_213 = arith.constant 0 : i32
    %dma_wait3A_214 = arith.constant 0 : i32
    %dma_wait3A_215 = tpu.memref_slice %arg3[%add3A_209, %dma_wait3A_213, %dma_wait3A_214] : memref<4096x16x512xf32, #tpu.memory_space<hbm>> -> memref<8x16x512xf32, #tpu.memory_space<hbm>>
    tpu.wait_dma2 semaphore(%arg5 : memref<!tpu.dma_semaphore, #tpu.memory_space<semaphore_mem>>) src(%arg4 : memref<8x16x512xf32, #tpu.memory_space<vmem>>) dst(%dma_wait3A_215 : memref<8x16x512xf32, #tpu.memory_space<hbm>>)
    %add3A_216 = arith.constant 80 : i32
    %add3A_217 = arith.addi %mul3A_2, %add3A_216 : i32
    %dma_wait3A_218 = arith.constant 0 : i32
    %dma_wait3A_219 = arith.constant 0 : i32
    %dma_wait3A_220 = tpu.memref_slice %arg3[%add3A_217, %dma_wait3A_218, %dma_wait3A_219] : memref<4096x16x512xf32, #tpu.memory_space<hbm>> -> memref<8x16x512xf32, #tpu.memory_space<hbm>>
    %dma_wait3A_221 = arith.constant 0 : i32
    %dma_wait3A_222 = arith.constant 0 : i32
    %dma_wait3A_223 = tpu.memref_slice %arg3[%add3A_217, %dma_wait3A_221, %dma_wait3A_222] : memref<4096x16x512xf32, #tpu.memory_space<hbm>> -> memref<8x16x512xf32, #tpu.memory_space<hbm>>
    tpu.wait_dma2 semaphore(%arg5 : memref<!tpu.dma_semaphore, #tpu.memory_space<semaphore_mem>>) src(%arg4 : memref<8x16x512xf32, #tpu.memory_space<vmem>>) dst(%dma_wait3A_223 : memref<8x16x512xf32, #tpu.memory_space<hbm>>)
    %add3A_224 = arith.constant 88 : i32
    %add3A_225 = arith.addi %mul3A_2, %add3A_224 : i32
    %dma_wait3A_226 = arith.constant 0 : i32
    %dma_wait3A_227 = arith.constant 0 : i32
    %dma_wait3A_228 = tpu.memref_slice %arg3[%add3A_225, %dma_wait3A_226, %dma_wait3A_227] : memref<4096x16x512xf32, #tpu.memory_space<hbm>> -> memref<8x16x512xf32, #tpu.memory_space<hbm>>
    %dma_wait3A_229 = arith.constant 0 : i32
    %dma_wait3A_230 = arith.constant 0 : i32
    %dma_wait3A_231 = tpu.memref_slice %arg3[%add3A_225, %dma_wait3A_229, %dma_wait3A_230] : memref<4096x16x512xf32, #tpu.memory_space<hbm>> -> memref<8x16x512xf32, #tpu.memory_space<hbm>>
    tpu.wait_dma2 semaphore(%arg5 : memref<!tpu.dma_semaphore, #tpu.memory_space<semaphore_mem>>) src(%arg4 : memref<8x16x512xf32, #tpu.memory_space<vmem>>) dst(%dma_wait3A_231 : memref<8x16x512xf32, #tpu.memory_space<hbm>>)
    %add3A_232 = arith.constant 96 : i32
    %add3A_233 = arith.addi %mul3A_2, %add3A_232 : i32
    %dma_wait3A_234 = arith.constant 0 : i32
    %dma_wait3A_235 = arith.constant 0 : i32
    %dma_wait3A_236 = tpu.memref_slice %arg3[%add3A_233, %dma_wait3A_234, %dma_wait3A_235] : memref<4096x16x512xf32, #tpu.memory_space<hbm>> -> memref<8x16x512xf32, #tpu.memory_space<hbm>>
    %dma_wait3A_237 = arith.constant 0 : i32
    %dma_wait3A_238 = arith.constant 0 : i32
    %dma_wait3A_239 = tpu.memref_slice %arg3[%add3A_233, %dma_wait3A_237, %dma_wait3A_238] : memref<4096x16x512xf32, #tpu.memory_space<hbm>> -> memref<8x16x512xf32, #tpu.memory_space<hbm>>
    tpu.wait_dma2 semaphore(%arg5 : memref<!tpu.dma_semaphore, #tpu.memory_space<semaphore_mem>>) src(%arg4 : memref<8x16x512xf32, #tpu.memory_space<vmem>>) dst(%dma_wait3A_239 : memref<8x16x512xf32, #tpu.memory_space<hbm>>)
    %add3A_240 = arith.constant 104 : i32
    %add3A_241 = arith.addi %mul3A_2, %add3A_240 : i32
    %dma_wait3A_242 = arith.constant 0 : i32
    %dma_wait3A_243 = arith.constant 0 : i32
    %dma_wait3A_244 = tpu.memref_slice %arg3[%add3A_241, %dma_wait3A_242, %dma_wait3A_243] : memref<4096x16x512xf32, #tpu.memory_space<hbm>> -> memref<8x16x512xf32, #tpu.memory_space<hbm>>
    %dma_wait3A_245 = arith.constant 0 : i32
    %dma_wait3A_246 = arith.constant 0 : i32
    %dma_wait3A_247 = tpu.memref_slice %arg3[%add3A_241, %dma_wait3A_245, %dma_wait3A_246] : memref<4096x16x512xf32, #tpu.memory_space<hbm>> -> memref<8x16x512xf32, #tpu.memory_space<hbm>>
    tpu.wait_dma2 semaphore(%arg5 : memref<!tpu.dma_semaphore, #tpu.memory_space<semaphore_mem>>) src(%arg4 : memref<8x16x512xf32, #tpu.memory_space<vmem>>) dst(%dma_wait3A_247 : memref<8x16x512xf32, #tpu.memory_space<hbm>>)
    %add3A_248 = arith.constant 112 : i32
    %add3A_249 = arith.addi %mul3A_2, %add3A_248 : i32
    %dma_wait3A_250 = arith.constant 0 : i32
    %dma_wait3A_251 = arith.constant 0 : i32
    %dma_wait3A_252 = tpu.memref_slice %arg3[%add3A_249, %dma_wait3A_250, %dma_wait3A_251] : memref<4096x16x512xf32, #tpu.memory_space<hbm>> -> memref<8x16x512xf32, #tpu.memory_space<hbm>>
    %dma_wait3A_253 = arith.constant 0 : i32
    %dma_wait3A_254 = arith.constant 0 : i32
    %dma_wait3A_255 = tpu.memref_slice %arg3[%add3A_249, %dma_wait3A_253, %dma_wait3A_254] : memref<4096x16x512xf32, #tpu.memory_space<hbm>> -> memref<8x16x512xf32, #tpu.memory_space<hbm>>
    tpu.wait_dma2 semaphore(%arg5 : memref<!tpu.dma_semaphore, #tpu.memory_space<semaphore_mem>>) src(%arg4 : memref<8x16x512xf32, #tpu.memory_space<vmem>>) dst(%dma_wait3A_255 : memref<8x16x512xf32, #tpu.memory_space<hbm>>)
    %add3A_256 = arith.constant 120 : i32
    %add3A_257 = arith.addi %mul3A_2, %add3A_256 : i32
    %dma_wait3A_258 = arith.constant 0 : i32
    %dma_wait3A_259 = arith.constant 0 : i32
    %dma_wait3A_260 = tpu.memref_slice %arg3[%add3A_257, %dma_wait3A_258, %dma_wait3A_259] : memref<4096x16x512xf32, #tpu.memory_space<hbm>> -> memref<8x16x512xf32, #tpu.memory_space<hbm>>
    %dma_wait3A_261 = arith.constant 0 : i32
    %dma_wait3A_262 = arith.constant 0 : i32
    %dma_wait3A_263 = tpu.memref_slice %arg3[%add3A_257, %dma_wait3A_261, %dma_wait3A_262] : memref<4096x16x512xf32, #tpu.memory_space<hbm>> -> memref<8x16x512xf32, #tpu.memory_space<hbm>>
    tpu.wait_dma2 semaphore(%arg5 : memref<!tpu.dma_semaphore, #tpu.memory_space<semaphore_mem>>) src(%arg4 : memref<8x16x512xf32, #tpu.memory_space<vmem>>) dst(%dma_wait3A_263 : memref<8x16x512xf32, #tpu.memory_space<hbm>>)
    return
  }
}

</mosaic_0001>

<sc_bundles>
// kernel: kernel.3.cloned.1.call-start
scs
__scs_entry_jumppad:
0x0: {  	(pc) =	sbr.rel $0x88, $3  }
0x1: {  	(tag) =	ssettag $0x0;
	lr =	simm.s32 $0x1  }
0x2: {  	[smem:$0x3FA0] =	sst lr;
	_ =	strace $0xD0000000  }
0x3: {  	_ = 	snop  }
0x4: {  	_ = 	snop  }
0x5: {  	_ = 	snop  }
0x6: {  	_ = 	snop  }
0x7: {  	_ = 	snop  }
__scs_overlays_trampoline_lowered:
0x8: {  	[smem:$0x3FAF] =	sst s0  }
0x9: {  	[smem:$0x3FB0] =	sst s1  }
0xa: {  	[smem:$0x3FB1] =	sst s2  }
0xb: {  	[smem:$0x3FB2] =	sst s3  }
0xc: {  	[smem:$0x3FB3] =	sst s4  }
0xd: {  	[smem:$0x3FB4] =	sst s5  }
0xe: {  	[smem:$0x3FB5] =	sst s6  }
0xf: {  	[smem:$0x3FB6] =	sst s7  }
0x10: {  	[smem:$0x3FB7] =	sst s8  }
0x11: {  	[smem:$0x3FB8] =	sst s9;
	s0 =	simm.s32 @!p0 $0x0  }
0x12: {  	s1 =	sld [smem:$0x3F9E];
	s0 =	simm.s32 @p0 $0x1  }
0x13: {  	[smem:$0x3FB9] =	sst s0;
	s0 =	simm.s32 @!p1 $0x0  }
0x14: {  	s2 =	sld [smem:$0x3F9D];
	s0 =	simm.s32 @p1 $0x1  }
0x15: {  	[smem:$0x3FBA] =	sst s0;
	s0 =	simm.s32 @!p2 $0x0  }
0x16: {  	s3 =	sld [smem:$0x3FDB];
	s0 =	simm.s32 @p2 $0x1  }
0x17: {  	s4 =	simm.s32 $0x1BF5;
	[smem:$0x3FBC] =	sst s0  }
0x18: {  	s0 =	sld [smem:$0x3F9F];
	_ =	swait.ge [sflag:s4], $0x0  }
0x19: {  	s7 =	sld [smem:$0x3FA0]  }
0x1a: {  	s8 =	sadd.s32 $0xFFFFE003, lr  }
0x1b: {  	s9 =	sadd.s32 $0xFFFFFEF7, lr;
	s5 =	simm.s32 $0xFFFFFFFF;
	p2 =	slt.u32 s8, $0xFFFFF086  }
0x1c: {  	p1 =	slt.u32 s9, $0xF7A;
	s5 =	simm.s32 @!p2 $0x0  }
0x1d: {  	s5 =	simm.s32 @p1 $0x1;
	p0 =	seq.s32 s7, s2  }
0x1e: {  	s7 =	smul.u32 @!p0 $0xF7A, s2;
	p2 =	seq.s32 @!p0 s5, $0x0  }
0x1f: {  	s9 =	smul.u32 $0xF7A, s1;
	s8 =	simm.s32 @!p0 $0x1BF5;
	p2 =	por !p2, p0  }
0x20: {  	[sflag:s8] =	ssyncset.s32 @!p0 $0xFFFFF086;
	s6 =	sadd.s32 @!p0 s3, s7;
	s7 =	simm.s32 @!p0 $0x108  }
0x21: {  	s3 =	sadd.s32 s3, s9;
	s6 =	sadd.s32 @!p0 $0x88, s6;
	s7 =	simm.s32 @p2 $0x1082  }
0x22: {  	[simem:s7], [sflag:s8] =	dma.local @!p0 [hbm:s6], $0xF7A  }
0x23: {  	s9 =	sor.u32 $0xD0000000, s2;
	s6 =	simm.s32 $0x108;
	_ =	swait.ge @!p0 [sflag:s8], $0x0  }
0x24: {  	s3 =	sadd.s32 $0x88, s3;
	s6 =	simm.s32 @!p1 $0x1082;
	[sflag:s4] =	ssyncset.s32 $0xFFFFF086  }
0x25: {  	[simem:s6], [sflag:s4] =	dma.local [hbm:s3], $0xF7A  }
0x26: {  	[smem:$0x3FA0] =	sst s1;
	(tag) =	ssettag s2;
	_ =	strace s9  }
0x27: {  	s1 =	sld [smem:$0x3FB0]  }
0x28: {  	s2 =	sld [smem:$0x3FB1]  }
0x29: {  	s4 =	sld [smem:$0x3FB3]  }
0x2a: {  	p0 =	seq.s32 s5, $0x0;
	s5 =	sld [smem:$0x3FB4]  }
0x2b: {  	s6 =	sld [smem:$0x3FB5]  }
0x2c: {  	s7 =	sld [smem:$0x3FB6]  }
0x2d: {  	s3 =	simm.s32 $0x108;
	s8 =	sld [smem:$0x3FB7]  }
0x2e: {  	s3 =	simm.s32 @!p0 $0x1082;
	s9 =	sld [smem:$0x3FB8]  }
0x2f: {  	lr =	sadd.s32 s0, s3;
	s0 =	sld [smem:$0x3FAF]  }
0x30: {  	s3 =	sld [smem:$0x3FB2]  }
0x31: {  	[smem:$0x3FBB] =	sst s10  }
0x32: {  	s10 =	sld [smem:$0x3FB9];
	_ =	sdelay $0x3  }
0x33: {  	p0 =	seq.s32 s10, $0x1;
	s10 =	sld [smem:$0x3FBB];
	_ =	sdelay $0x3  }
0x34: {  	[smem:$0x3FBB] =	sst s10  }
0x35: {  	s10 =	sld [smem:$0x3FBA];
	_ =	sdelay $0x3  }
0x36: {  	p1 =	seq.s32 s10, $0x1;
	s10 =	sld [smem:$0x3FBB];
	_ =	sdelay $0x3  }
0x37: {  	[smem:$0x3FBB] =	sst s10  }
0x38: {  	s10 =	sld [smem:$0x3FBC]  }
0x39: {  	_ = 	snop;
	(pc) =	sbr.ind lr, $3  }
0x3a: {  	_ = 	snop  }
0x3b: {  	_ = 	snop  }
0x3c: {  	p2 =	seq.s32 s10, $0x1;
	s10 =	sld [smem:$0x3FBB]  }
0x3d: {  	_ =	shalt  }
0x3e: {  	_ =	shalt  }
0x3f: {  	_ =	shalt  }
0x40: {  	_ =	shalt  }
0x41: {  	_ =	shalt  }
0x42: {  	_ =	shalt  }
0x43: {  	_ =	shalt  }
0x44: {  	_ =	shalt  }
0x45: {  	_ =	shalt  }
0x46: {  	_ =	shalt  }
0x47: {  	_ =	shalt  }
0x48: {  	_ =	shalt  }
0x49: {  	_ =	shalt  }
0x4a: {  	_ =	shalt  }
0x4b: {  	_ =	shalt  }
0x4c: {  	_ =	shalt  }
0x4d: {  	_ =	shalt  }
0x4e: {  	_ =	shalt  }
0x4f: {  	_ =	shalt  }
0x50: {  	_ =	shalt  }
0x51: {  	_ =	shalt  }
0x52: {  	_ =	shalt  }
0x53: {  	_ =	shalt  }
0x54: {  	_ =	shalt  }
0x55: {  	_ =	shalt  }
0x56: {  	_ =	shalt  }
0x57: {  	_ =	shalt  }
0x58: {  	_ =	shalt  }
0x59: {  	_ =	shalt  }
0x5a: {  	_ =	shalt  }
0x5b: {  	_ =	shalt  }
0x5c: {  	_ =	shalt  }
0x5d: {  	_ =	shalt  }
0x5e: {  	_ =	shalt  }
0x5f: {  	_ =	shalt  }
0x60: {  	_ =	shalt  }
0x61: {  	_ =	shalt  }
0x62: {  	_ =	shalt  }
0x63: {  	_ =	shalt  }
0x64: {  	_ =	shalt  }
0x65: {  	_ =	shalt  }
0x66: {  	_ =	shalt  }
0x67: {  	_ =	shalt  }
0x68: {  	_ =	shalt  }
0x69: {  	_ =	shalt  }
0x6a: {  	_ =	shalt  }
0x6b: {  	_ =	shalt  }
0x6c: {  	_ =	shalt  }
0x6d: {  	_ =	shalt  }
0x6e: {  	_ =	shalt  }
0x6f: {  	_ =	shalt  }
0x70: {  	_ =	shalt  }
0x71: {  	_ =	shalt  }
0x72: {  	_ =	shalt  }
0x73: {  	_ =	shalt  }
0x74: {  	_ =	shalt  }
0x75: {  	_ =	shalt  }
0x76: {  	_ =	shalt  }
0x77: {  	_ =	shalt  }
0x78: {  	_ =	shalt  }
0x79: {  	_ =	shalt  }
0x7a: {  	_ =	shalt  }
0x7b: {  	_ =	shalt  }
0x7c: {  	_ =	shalt  }
0x7d: {  	_ =	shalt  }
0x7e: {  	_ =	shalt  }
0x7f: {  	_ =	shalt  }
0x80: {  	_ =	shalt  }
0x81: {  	_ =	shalt  }
0x82: {  	_ =	shalt  }
0x83: {  	_ =	shalt  }
0x84: {  	_ =	shalt  }
0x85: {  	_ =	shalt  }
0x86: {  	_ =	shalt  }
0x87: {  	_ =	shalt  }
.Lfunc_end0:
.L_simem_size_0:
called_computation_lowered:
.L_overlay_start_0:
0x88: {  	s2 =	sld [smem:$0x3FD9]  }
0x89: {  	s3 =	sld [smem:$0x3FFE];
	_ =	sdelay $0x1  }
0x8a: {  	s1 =	srdreg.scid  }
0x8b: {  	s0 =	sand.u32 $0x1, s1  }
0x8c: {  	s17 =	sshll.u32 s0, $0xA;
	s2 =	sadd.s32 s3, s2  }
0x8d: {  	s2 =	sadd.s32 s2, s17  }
0x8e: {  	[smem:$0x3FC7] =	sst s2  }
0x8f: {  	_ = 	snop  }
0x90: {  	s2 =	sld [smem:$0x3FD0];
	(tm) =	ssettm $0x1  }
0x91: {  	s18 =	sld [smem:$0x3FFB];
	_ =	sdelay $0x3  }
0x92: {  	_ =	strace s18  }
0x93: {  	s3 =	sld [smem:$0x3FFC];
	_ =	sdelay $0x3  }
0x94: {  	_ =	strace s3  }
0x95: {  	s3 =	sld [smem:$0x3FFD];
	_ =	sdelay $0x3  }
0x96: {  	_ =	strace s3  }
0x97: {  	_ =	strace $0x8FFFFFFF  }
0x98: {  	s19 =	sld [smem:$0x3FDB];
	_ =	sdelay $0x1  }
0x99: {  	s4 =	simm.s32 $_scs_section_size  }
0x9a: {  	s5 =	simm.s32 $_size__tile_overlayer_lowered;
	s6 =	simm.s32 $_tile_overlayer_lowered  }
0x9b: {  	s22 =	simm.s32 $0x1BFF;
	s21 =	sshll.u32 s6, $0x1;
	s3 =	sadd.s32 s4, s19  }
0x9c: {  	s7 =	simm.s32 $0x0;
	s20 =	sshll.u32 s5, $0x1;
	s5 =	sadd.s32 s21, s3  }
0x9d: {  	[timem:s7], [sflag:s22] =	dma.local [hbm:s5], s20  }
0x9e: {  	_ =	swait.ge [sflag:s22], s20  }
0x9f: {  	s4 =	ssub.s32 $0x0, s20;
	[sflag:s22] =	ssyncset.done $0x0  }
0xa0: {  	[sflag:s22] =	ssyncadd.s32 s4;
	_ =	sdelay $0x1  }
0xa1: {  	s23 =	simm.s32 $0x1B8B  }
0xa2: {  	_ =	swait.ge [sflag:s23], $0x1  }
0xa3: {  	[sflag:s23] =	ssyncset.done $0x0  }
0xa4: {  	s25 =	simm.s32 $0x1B8E;
	s24 =	sld [smem:$0x3FFE];
	[sflag:s23] =	ssyncadd.s32 $0xFFFFFFFF  }
0xa5: {  	s26 =	simm.s32 $execute0_lowered;
	[smem:$0x3FD2] =	sst s25  }
0xa6: {  	s5 =	sshll.u32 s26, $0x1;
	_ =	strace $0x80000046;
	[dreg:$0x1] =	wrdreg $0xFFFFFFFF  }
0xa7: {  	s28 =	simm.s32 $_size_execute0_lowered;
	s3 =	sadd.s32 s3, s5;
	[dreg:$0x0] =	wrdreg $0x0  }
0xa8: {  	s5 =	sshll.u32 s28, $0x1;
	[dreg:$0x2] =	wrdreg s3  }
0xa9: {  	[dreg:$0x3] =	wrdreg s5  }
0xaa: {  	[dreg:$0x4] =	wrdreg $0xC0  }
0xab: {  	_ =	task [dreg:s7], $0x5FFFF  }
0xac: {  	[dreg:$0x1] =	wrdreg $0xFFFFFFFF  }
0xad: {  	[dreg:$0x0] =	wrdreg $0x60  }
0xae: {  	[dreg:$0x2] =	wrdreg s24  }
0xaf: {  	[dreg:$0x3] =	wrdreg s2  }
0xb0: {  	[dreg:$0x4] =	wrdreg $0x9  }
0xb1: {  	_ =	task.clear_ibuf [dreg:s7], $0x5FFFF;
	_ =	strace $0x90000046  }
0xb2: {  	s29 =	simm.s32 $0x9;
	_ =	strace $0x80000048  }
0xb3: {  	_ =	swait.ge [sflag:s29], $0x1  }
0xb4: {  	[sflag:s29] =	ssyncadd.s32 $0xFFFFFFFF  }
0xb5: {  	_ =	strace $0x90000048  }
0xb6: {  	_ =	sfence  }
0xb7: {  	s30 =	sld [smem:$0x0];
	_ =	sdelay $0x2  }
0xb8: {  	s31 =	sshll.u32 s1, $0xD;
	s1 =	sshrl.u32 s1, $0x2  }
0xb9: {  	s3 =	sand.u32 $0x4000, s31;
	s1 =	sadd.s32 s1, s30  }
0xba: {  	s0 =	sor.u32 s3, s0;
	s1 =	sshll.u32 s1, $0x11  }
0xbb: {  	s0 =	sor.u32 s1, s0  }
0xbc: {  	s0 =	sadd.s32 $0x8F2B, s0  }
0xbd: {  	[sflag:s0] =	ssyncadd.remote.s32 $0x1  }
0xbe: {  	_ =	sfence.sel $0xFFFF  }
0xbf: {  	[dreg:$0x0] =	wrdreg $0xFFFFFFFF;
	(pc) =	sbr.abs _section_cstart, $3  }
0xc0: {  	[dreg:$0x1] =	wrdreg $0xFFFFFFFF  }
0xc1: {  	_ =	task.clear_ibuf [dreg:s7], $0x2FFFF;
	_ =	strace $0x9FFFFFFF  }
0xc2: {  	(tm) =	ssettm $0x7FFFFFFF  }
0xc3: {  	_ =	shalt  }
tec
execute0_lowered:
.L_overlay_start_1:
0x0: {  	(tag) =	ssettag $0x1  }
0x1: {  	s2 =	rddreg [dreg:$0x0]  }
0x2: {  	s12 =	rddreg [dreg:$0x1]  }
0x3: {  	s0 =	rddreg [dreg:$0x2];
	s1 =	simm.s32 $0x0  }
0x4: {  	[smem:$0x7FF] =	sst s1  }
0x5: {  	s3 =	simm.s32 $0x2;
	s2 =	sadd.s32 $0x400, s2;
	_ =	strace $0x80000047  }
0x6: {  	[tilespmem:s1], [sflag:$0x2] =	stream.linear.gather [hbm4b:s2+s1], $0x2000, $0x38;
	[tilespmem:$0x10000] =	vst v63  }
0x7: {  	_ =	swait.ge [sflag:s3], $0x2000  }
0x8: {  	[sflag:s3] =	ssyncset.done $0x0  }
0x9: {  	s4 =	simm.s32 $0x2000;
	[sflag:s3] =	ssyncadd.s32 $0xFFFFE000  }
0xa: {  	[tilespmem:s4], [sflag:$0x2] =	stream.linear.gather [hbm4b:s2+s1], $0x2000, $0x38;
	[tilespmem:$0x10000] =	vst v63  }
0xb: {  	_ =	swait.ge [sflag:s3], $0x2000  }
0xc: {  	[sflag:s3] =	ssyncset.done $0x0  }
0xd: {  	s5 =	simm.s32 $0x4000;
	[sflag:s3] =	ssyncadd.s32 $0xFFFFE000  }
0xe: {  	[tilespmem:s5], [sflag:$0x2] =	stream.linear.gather [hbm4b:s2+s1], $0x2000, $0x38;
	[tilespmem:$0x10000] =	vst v63  }
0xf: {  	_ =	swait.ge [sflag:s3], $0x2000  }
0x10: {  	[sflag:s3] =	ssyncset.done $0x0  }
0x11: {  	s6 =	simm.s32 $0x6000;
	[sflag:s3] =	ssyncadd.s32 $0xFFFFE000  }
0x12: {  	[tilespmem:s6], [sflag:$0x2] =	stream.linear.gather [hbm4b:s2+s1], $0x2000, $0x38;
	[tilespmem:$0x10000] =	vst v63  }
0x13: {  	_ =	swait.ge [sflag:s3], $0x2000  }
0x14: {  	[sflag:s3] =	ssyncset.done $0x0  }
0x15: {  	s7 =	simm.s32 $0x8000;
	[sflag:s3] =	ssyncadd.s32 $0xFFFFE000  }
0x16: {  	[tilespmem:s7], [sflag:$0x2] =	stream.linear.gather [hbm4b:s2+s1], $0x2000, $0x38;
	[tilespmem:$0x10000] =	vst v63  }
0x17: {  	_ =	swait.ge [sflag:s3], $0x2000  }
0x18: {  	[sflag:s3] =	ssyncset.done $0x0  }
0x19: {  	s8 =	simm.s32 $0xA000;
	[sflag:s3] =	ssyncadd.s32 $0xFFFFE000  }
0x1a: {  	[tilespmem:s8], [sflag:$0x2] =	stream.linear.gather [hbm4b:s2+s1], $0x2000, $0x38;
	[tilespmem:$0x10000] =	vst v63  }
0x1b: {  	_ =	swait.ge [sflag:s3], $0x2000  }
0x1c: {  	[sflag:s3] =	ssyncset.done $0x0  }
0x1d: {  	s10 =	simm.s32 $0xC000;
	[sflag:s3] =	ssyncadd.s32 $0xFFFFE000  }
0x1e: {  	[tilespmem:s10], [sflag:$0x2] =	stream.linear.gather [hbm4b:s2+s1], $0x2000, $0x38;
	[tilespmem:$0x10000] =	vst v63  }
0x1f: {  	_ =	swait.ge [sflag:s3], $0x2000  }
0x20: {  	s11 =	srdreg.scid;
	s9 =	stileid.u32;
	[sflag:s3] =	ssyncset.done $0x0  }
0x21: {  	s30 =	sand.u32 $0x1, s11;
	s11 =	simm.s32 $0xE000;
	[sflag:s3] =	ssyncadd.s32 $0xFFFFE000  }
0x22: {  	[tilespmem:s11], [sflag:$0x2] =	stream.linear.gather [hbm4b:s2+s1], $0x2000, $0x38;
	[tilespmem:$0x10000] =	vst v63  }
0x23: {  	s13 =	sshll.u32 s9, $0x12;
	s14 =	sshll.u32 s30, $0x11;
	_ =	swait.ge [sflag:s3], $0x2000  }
0x24: {  	s13 =	sor.u32 s14, s13;
	[sflag:s3] =	ssyncset.done $0x0  }
0x25: {  	s12 =	sadd.s32 s12, s13;
	[sflag:s3] =	ssyncadd.s32 $0xFFFFE000  }
0x26: {  	[hbm4b:s12+s1] =	stream.linear.scatter [tilespmem:s1], [sflag:$0x1], $0x10000, $0x38;
	[tilespmem:$0x10000] =	vst v63  }
0x27: {  	s13 =	sadd.s32 $0x2000, s12  }
0x28: {  	[hbm4b:s13+s1] =	stream.linear.scatter [tilespmem:s1], [sflag:$0x1], $0x10000, $0x38;
	[tilespmem:$0x10000] =	vst v63  }
0x29: {  	s14 =	sadd.s32 $0x4000, s12  }
0x2a: {  	[hbm4b:s14+s1] =	stream.linear.scatter [tilespmem:s1], [sflag:$0x1], $0x10000, $0x38;
	[tilespmem:$0x10000] =	vst v63  }
0x2b: {  	s15 =	sadd.s32 $0x6000, s12  }
0x2c: {  	[hbm4b:s15+s1] =	stream.linear.scatter [tilespmem:s1], [sflag:$0x1], $0x10000, $0x38;
	[tilespmem:$0x10000] =	vst v63  }
0x2d: {  	s16 =	sadd.s32 $0x8000, s12  }
0x2e: {  	[hbm4b:s16+s1] =	stream.linear.scatter [tilespmem:s1], [sflag:$0x1], $0x10000, $0x38;
	[tilespmem:$0x10000] =	vst v63  }
0x2f: {  	s17 =	sadd.s32 $0xA000, s12  }
0x30: {  	[hbm4b:s17+s1] =	stream.linear.scatter [tilespmem:s1], [sflag:$0x1], $0x10000, $0x38;
	[tilespmem:$0x10000] =	vst v63  }
0x31: {  	s18 =	sadd.s32 $0xC000, s12  }
0x32: {  	[hbm4b:s18+s1] =	stream.linear.scatter [tilespmem:s1], [sflag:$0x1], $0x10000, $0x38;
	[tilespmem:$0x10000] =	vst v63  }
0x33: {  	s19 =	sadd.s32 $0xE000, s12  }
0x34: {  	[hbm4b:s19+s1] =	stream.linear.scatter [tilespmem:s1], [sflag:$0x1], $0x10000, $0x38;
	[tilespmem:$0x10000] =	vst v63  }
0x35: {  	s20 =	sadd.s32 $0x10000, s12  }
0x36: {  	[hbm4b:s20+s1] =	stream.linear.scatter [tilespmem:s1], [sflag:$0x1], $0x10000, $0x38;
	[tilespmem:$0x10000] =	vst v63  }
0x37: {  	s21 =	sadd.s32 $0x12000, s12  }
0x38: {  	[hbm4b:s21+s1] =	stream.linear.scatter [tilespmem:s1], [sflag:$0x1], $0x10000, $0x38;
	[tilespmem:$0x10000] =	vst v63  }
0x39: {  	s22 =	sadd.s32 $0x14000, s12  }
0x3a: {  	[hbm4b:s22+s1] =	stream.linear.scatter [tilespmem:s1], [sflag:$0x1], $0x10000, $0x38;
	[tilespmem:$0x10000] =	vst v63  }
0x3b: {  	s23 =	sadd.s32 $0x16000, s12  }
0x3c: {  	[hbm4b:s23+s1] =	stream.linear.scatter [tilespmem:s1], [sflag:$0x1], $0x10000, $0x38;
	[tilespmem:$0x10000] =	vst v63  }
0x3d: {  	s24 =	sadd.s32 $0x18000, s12  }
0x3e: {  	[hbm4b:s24+s1] =	stream.linear.scatter [tilespmem:s1], [sflag:$0x1], $0x10000, $0x38;
	[tilespmem:$0x10000] =	vst v63  }
0x3f: {  	s25 =	sadd.s32 $0x1A000, s12  }
0x40: {  	[hbm4b:s25+s1] =	stream.linear.scatter [tilespmem:s1], [sflag:$0x1], $0x10000, $0x38;
	[tilespmem:$0x10000] =	vst v63  }
0x41: {  	s26 =	sadd.s32 $0x1C000, s12  }
0x42: {  	[hbm4b:s26+s1] =	stream.linear.scatter [tilespmem:s1], [sflag:$0x1], $0x10000, $0x38;
	[tilespmem:$0x10000] =	vst v63  }
0x43: {  	s29 =	simm.s32 $0x1;
	s28 =	sadd.s32 $0x1E000, s12  }
0x44: {  	[hbm4b:s28+s1] =	stream.linear.scatter [tilespmem:s1], [sflag:$0x1], $0x10000, $0x38;
	[tilespmem:$0x10000] =	vst v63  }
0x45: {  	_ =	swait.ge [sflag:s29], $0x10000  }
0x46: {  	[sflag:s29] =	ssyncset.done $0x0  }
0x47: {  	[sflag:s29] =	ssyncadd.s32 $0xFFFF0000  }
0x48: {  	_ =	swait.ge [sflag:s29], $0x10000  }
0x49: {  	[sflag:s29] =	ssyncset.done $0x0  }
0x4a: {  	[sflag:s29] =	ssyncadd.s32 $0xFFFF0000  }
0x4b: {  	_ =	swait.ge [sflag:s29], $0x10000  }
0x4c: {  	[sflag:s29] =	ssyncset.done $0x0  }
0x4d: {  	[sflag:s29] =	ssyncadd.s32 $0xFFFF0000  }
0x4e: {  	_ =	swait.ge [sflag:s29], $0x10000  }
0x4f: {  	[sflag:s29] =	ssyncset.done $0x0  }
0x50: {  	[sflag:s29] =	ssyncadd.s32 $0xFFFF0000  }
0x51: {  	_ =	swait.ge [sflag:s29], $0x10000  }
0x52: {  	[sflag:s29] =	ssyncset.done $0x0  }
0x53: {  	[sflag:s29] =	ssyncadd.s32 $0xFFFF0000  }
0x54: {  	_ =	swait.ge [sflag:s29], $0x10000  }
0x55: {  	[sflag:s29] =	ssyncset.done $0x0  }
0x56: {  	[sflag:s29] =	ssyncadd.s32 $0xFFFF0000  }
0x57: {  	_ =	swait.ge [sflag:s29], $0x10000  }
0x58: {  	[sflag:s29] =	ssyncset.done $0x0  }
0x59: {  	[sflag:s29] =	ssyncadd.s32 $0xFFFF0000  }
0x5a: {  	_ =	swait.ge [sflag:s29], $0x10000  }
0x5b: {  	[sflag:s29] =	ssyncset.done $0x0  }
0x5c: {  	[sflag:s29] =	ssyncadd.s32 $0xFFFF0000  }
0x5d: {  	_ =	swait.ge [sflag:s29], $0x10000  }
0x5e: {  	[sflag:s29] =	ssyncset.done $0x0  }
0x5f: {  	[sflag:s29] =	ssyncadd.s32 $0xFFFF0000  }
0x60: {  	_ =	swait.ge [sflag:s29], $0x10000  }
0x61: {  	[sflag:s29] =	ssyncset.done $0x0  }
0x62: {  	[sflag:s29] =	ssyncadd.s32 $0xFFFF0000  }
0x63: {  	_ =	swait.ge [sflag:s29], $0x10000  }
0x64: {  	[sflag:s29] =	ssyncset.done $0x0  }
0x65: {  	[sflag:s29] =	ssyncadd.s32 $0xFFFF0000  }
0x66: {  	_ =	swait.ge [sflag:s29], $0x10000  }
0x67: {  	[sflag:s29] =	ssyncset.done $0x0  }
0x68: {  	[sflag:s29] =	ssyncadd.s32 $0xFFFF0000  }
0x69: {  	_ =	swait.ge [sflag:s29], $0x10000  }
0x6a: {  	s30 =	ssub.s32 $0x2, s30;
	[sflag:s29] =	ssyncset.done $0x0  }
0x6b: {  	s31 =	sshrl.u32 s30, $0x1;
	[sflag:s29] =	ssyncadd.s32 $0xFFFF0000  }
0x6c: {  	s30 =	ssub.s32 s30, s31;
	_ =	swait.ge [sflag:s29], $0x10000  }
0x6d: {  	s30 =	smax.u32 s30, $0x1;
	[sflag:s29] =	ssyncset.done $0x0  }
0x6e: {  	p0 =	sne.s32 s30, $0x1;
	[sflag:s29] =	ssyncadd.s32 $0xFFFF0000  }
.Ltmp0:
0x6f: {  	_ =	swait.ge [sflag:s29], $0x10000;
	(pc) =	sbr.rel @!p0 .LBB2_2-.Ltmp0, $4  }
0x70: {  	[sflag:s29] =	ssyncset.done $0x0  }
0x71: {  	[sflag:s29] =	ssyncadd.s32 $0xFFFF0000  }
0x72: {  	_ =	swait.ge [sflag:s29], $0x10000  }
0x73: {  	s30 =	sadd.s32 $0xFFFFFFFF, s30;
	[sflag:s29] =	ssyncset.done $0x0  }
.LBB2_1:
0x74: {  	p0 =	sne.s32 s30, $0x1;
	s30 =	sadd.s32 $0xFFFFFFFF, s30;
	[sflag:s29] =	ssyncadd.s32 $0xFFFF0000  }
0x75: {  	[tilespmem:s1], [sflag:$0x2] =	stream.linear.gather [hbm4b:s2+s1], $0x2000, $0x38;
	[tilespmem:$0x10000] =	vst v63  }
0x76: {  	_ =	swait.ge [sflag:s3], $0x2000  }
0x77: {  	[sflag:s3] =	ssyncset.done $0x0  }
0x78: {  	[sflag:s3] =	ssyncadd.s32 $0xFFFFE000  }
0x79: {  	[tilespmem:s4], [sflag:$0x2] =	stream.linear.gather [hbm4b:s2+s1], $0x2000, $0x38;
	[tilespmem:$0x10000] =	vst v63  }
0x7a: {  	_ =	swait.ge [sflag:s3], $0x2000  }
0x7b: {  	[sflag:s3] =	ssyncset.done $0x0  }
0x7c: {  	[sflag:s3] =	ssyncadd.s32 $0xFFFFE000  }
0x7d: {  	[tilespmem:s5], [sflag:$0x2] =	stream.linear.gather [hbm4b:s2+s1], $0x2000, $0x38;
	[tilespmem:$0x10000] =	vst v63  }
0x7e: {  	_ =	swait.ge [sflag:s3], $0x2000  }
0x7f: {  	[sflag:s3] =	ssyncset.done $0x0  }
0x80: {  	[sflag:s3] =	ssyncadd.s32 $0xFFFFE000  }
0x81: {  	[tilespmem:s6], [sflag:$0x2] =	stream.linear.gather [hbm4b:s2+s1], $0x2000, $0x38;
	[tilespmem:$0x10000] =	vst v63  }
0x82: {  	_ =	swait.ge [sflag:s3], $0x2000  }
0x83: {  	[sflag:s3] =	ssyncset.done $0x0  }
0x84: {  	[sflag:s3] =	ssyncadd.s32 $0xFFFFE000  }
0x85: {  	[tilespmem:s7], [sflag:$0x2] =	stream.linear.gather [hbm4b:s2+s1], $0x2000, $0x38;
	[tilespmem:$0x10000] =	vst v63  }
0x86: {  	_ =	swait.ge [sflag:s3], $0x2000  }
0x87: {  	[sflag:s3] =	ssyncset.done $0x0  }
0x88: {  	[sflag:s3] =	ssyncadd.s32 $0xFFFFE000  }
0x89: {  	[tilespmem:s8], [sflag:$0x2] =	stream.linear.gather [hbm4b:s2+s1], $0x2000, $0x38;
	[tilespmem:$0x10000] =	vst v63  }
0x8a: {  	_ =	swait.ge [sflag:s3], $0x2000  }
0x8b: {  	[sflag:s3] =	ssyncset.done $0x0  }
0x8c: {  	[sflag:s3] =	ssyncadd.s32 $0xFFFFE000  }
0x8d: {  	[tilespmem:s10], [sflag:$0x2] =	stream.linear.gather [hbm4b:s2+s1], $0x2000, $0x38;
	[tilespmem:$0x10000] =	vst v63  }
0x8e: {  	_ =	swait.ge [sflag:s3], $0x2000  }
0x8f: {  	[sflag:s3] =	ssyncset.done $0x0  }
0x90: {  	[sflag:s3] =	ssyncadd.s32 $0xFFFFE000  }
0x91: {  	[tilespmem:s11], [sflag:$0x2] =	stream.linear.gather [hbm4b:s2+s1], $0x2000, $0x38;
	[tilespmem:$0x10000] =	vst v63  }
0x92: {  	_ =	swait.ge [sflag:s3], $0x2000  }
0x93: {  	[sflag:s3] =	ssyncset.done $0x0  }
0x94: {  	[sflag:s3] =	ssyncadd.s32 $0xFFFFE000  }
0x95: {  	[hbm4b:s12+s1] =	stream.linear.scatter [tilespmem:s1], [sflag:$0x1], $0x10000, $0x38;
	[tilespmem:$0x10000] =	vst v63  }
0x96: {  	_ = 	snop  }
0x97: {  	[hbm4b:s13+s1] =	stream.linear.scatter [tilespmem:s1], [sflag:$0x1], $0x10000, $0x38;
	[tilespmem:$0x10000] =	vst v63  }
0x98: {  	_ = 	snop  }
0x99: {  	[hbm4b:s14+s1] =	stream.linear.scatter [tilespmem:s1], [sflag:$0x1], $0x10000, $0x38;
	[tilespmem:$0x10000] =	vst v63  }
0x9a: {  	_ = 	snop  }
0x9b: {  	[hbm4b:s15+s1] =	stream.linear.scatter [tilespmem:s1], [sflag:$0x1], $0x10000, $0x38;
	[tilespmem:$0x10000] =	vst v63  }
0x9c: {  	_ = 	snop  }
0x9d: {  	[hbm4b:s16+s1] =	stream.linear.scatter [tilespmem:s1], [sflag:$0x1], $0x10000, $0x38;
	[tilespmem:$0x10000] =	vst v63  }
0x9e: {  	_ = 	snop  }
0x9f: {  	[hbm4b:s17+s1] =	stream.linear.scatter [tilespmem:s1], [sflag:$0x1], $0x10000, $0x38;
	[tilespmem:$0x10000] =	vst v63  }
0xa0: {  	_ = 	snop  }
0xa1: {  	[hbm4b:s18+s1] =	stream.linear.scatter [tilespmem:s1], [sflag:$0x1], $0x10000, $0x38;
	[tilespmem:$0x10000] =	vst v63  }
0xa2: {  	_ = 	snop  }
0xa3: {  	[hbm4b:s19+s1] =	stream.linear.scatter [tilespmem:s1], [sflag:$0x1], $0x10000, $0x38;
	[tilespmem:$0x10000] =	vst v63  }
0xa4: {  	_ = 	snop  }
0xa5: {  	[hbm4b:s20+s1] =	stream.linear.scatter [tilespmem:s1], [sflag:$0x1], $0x10000, $0x38;
	[tilespmem:$0x10000] =	vst v63  }
0xa6: {  	_ = 	snop  }
0xa7: {  	[hbm4b:s21+s1] =	stream.linear.scatter [tilespmem:s1], [sflag:$0x1], $0x10000, $0x38;
	[tilespmem:$0x10000] =	vst v63  }
0xa8: {  	_ = 	snop  }
0xa9: {  	[hbm4b:s22+s1] =	stream.linear.scatter [tilespmem:s1], [sflag:$0x1], $0x10000, $0x38;
	[tilespmem:$0x10000] =	vst v63  }
0xaa: {  	_ = 	snop  }
0xab: {  	[hbm4b:s23+s1] =	stream.linear.scatter [tilespmem:s1], [sflag:$0x1], $0x10000, $0x38;
	[tilespmem:$0x10000] =	vst v63  }
0xac: {  	_ = 	snop  }
0xad: {  	[hbm4b:s24+s1] =	stream.linear.scatter [tilespmem:s1], [sflag:$0x1], $0x10000, $0x38;
	[tilespmem:$0x10000] =	vst v63  }
0xae: {  	_ = 	snop  }
0xaf: {  	[hbm4b:s25+s1] =	stream.linear.scatter [tilespmem:s1], [sflag:$0x1], $0x10000, $0x38;
	[tilespmem:$0x10000] =	vst v63  }
0xb0: {  	_ = 	snop  }
0xb1: {  	[hbm4b:s26+s1] =	stream.linear.scatter [tilespmem:s1], [sflag:$0x1], $0x10000, $0x38;
	[tilespmem:$0x10000] =	vst v63  }
0xb2: {  	_ = 	snop  }
0xb3: {  	[hbm4b:s28+s1] =	stream.linear.scatter [tilespmem:s1], [sflag:$0x1], $0x10000, $0x38;
	[tilespmem:$0x10000] =	vst v63  }
0xb4: {  	_ =	swait.ge [sflag:s29], $0x10000  }
0xb5: {  	[sflag:s29] =	ssyncset.done $0x0  }
0xb6: {  	[sflag:s29] =	ssyncadd.s32 $0xFFFF0000  }
0xb7: {  	_ =	swait.ge [sflag:s29], $0x10000  }
0xb8: {  	[sflag:s29] =	ssyncset.done $0x0  }
0xb9: {  	[sflag:s29] =	ssyncadd.s32 $0xFFFF0000  }
0xba: {  	_ =	swait.ge [sflag:s29], $0x10000  }
0xbb: {  	[sflag:s29] =	ssyncset.done $0x0  }
0xbc: {  	[sflag:s29] =	ssyncadd.s32 $0xFFFF0000  }
0xbd: {  	_ =	swait.ge [sflag:s29], $0x10000  }
0xbe: {  	[sflag:s29] =	ssyncset.done $0x0  }
0xbf: {  	[sflag:s29] =	ssyncadd.s32 $0xFFFF0000  }
0xc0: {  	_ =	swait.ge [sflag:s29], $0x10000  }
0xc1: {  	[sflag:s29] =	ssyncset.done $0x0  }
0xc2: {  	[sflag:s29] =	ssyncadd.s32 $0xFFFF0000  }
0xc3: {  	_ =	swait.ge [sflag:s29], $0x10000  }
0xc4: {  	[sflag:s29] =	ssyncset.done $0x0  }
0xc5: {  	[sflag:s29] =	ssyncadd.s32 $0xFFFF0000  }
0xc6: {  	_ =	swait.ge [sflag:s29], $0x10000  }
0xc7: {  	[sflag:s29] =	ssyncset.done $0x0  }
0xc8: {  	[sflag:s29] =	ssyncadd.s32 $0xFFFF0000  }
0xc9: {  	_ =	swait.ge [sflag:s29], $0x10000  }
0xca: {  	[sflag:s29] =	ssyncset.done $0x0  }
0xcb: {  	[sflag:s29] =	ssyncadd.s32 $0xFFFF0000  }
0xcc: {  	_ =	swait.ge [sflag:s29], $0x10000  }
0xcd: {  	[sflag:s29] =	ssyncset.done $0x0  }
0xce: {  	[sflag:s29] =	ssyncadd.s32 $0xFFFF0000  }
0xcf: {  	_ =	swait.ge [sflag:s29], $0x10000  }
0xd0: {  	[sflag:s29] =	ssyncset.done $0x0  }
0xd1: {  	[sflag:s29] =	ssyncadd.s32 $0xFFFF0000  }
0xd2: {  	_ =	swait.ge [sflag:s29], $0x10000  }
0xd3: {  	[sflag:s29] =	ssyncset.done $0x0  }
0xd4: {  	[sflag:s29] =	ssyncadd.s32 $0xFFFF0000  }
0xd5: {  	_ =	swait.ge [sflag:s29], $0x10000  }
0xd6: {  	[sflag:s29] =	ssyncset.done $0x0  }
0xd7: {  	[sflag:s29] =	ssyncadd.s32 $0xFFFF0000  }
0xd8: {  	_ =	swait.ge [sflag:s29], $0x10000  }
0xd9: {  	[sflag:s29] =	ssyncset.done $0x0  }
0xda: {  	[sflag:s29] =	ssyncadd.s32 $0xFFFF0000  }
0xdb: {  	_ =	swait.ge [sflag:s29], $0x10000  }
0xdc: {  	[sflag:s29] =	ssyncset.done $0x0  }
0xdd: {  	[sflag:s29] =	ssyncadd.s32 $0xFFFF0000  }
.Ltmp1:
0xde: {  	_ =	swait.ge [sflag:s29], $0x10000;
	(pc) =	sbr.rel @p0 .LBB2_1-.Ltmp1, $4  }
0xdf: {  	[sflag:s29] =	ssyncset.done $0x0  }
0xe0: {  	[sflag:s29] =	ssyncadd.s32 $0xFFFF0000  }
0xe1: {  	_ =	swait.ge [sflag:s29], $0x10000  }
0xe2: {  	[sflag:s29] =	ssyncset.done $0x0  }
.LBB2_2:
0xe3: {  	[sflag:s29] =	ssyncadd.s32 $0xFFFF0000  }
0xe4: {  	_ =	sfence.sel $0x180000  }
0xe5: {  	[bflag:$0x0] =	sbarrier.arrive $0xFFFF  }
0xe6: {  	p0 =	sne.s32 s9, $0x0;
	_ =	strace $0x90000047  }
0xe7: {  	s0 =	sadd.s32 @!p0 $0x100000, s0;
	[bflag:$0x2] =	sbarrier.arrive $0xFFFF  }
0xe8: {  	[sflag:s0] =	ssyncadd.tile.s32 @!p0 $0x1;
	_ =	shalt  }
.Lfunc_end2:
_tile_overlayer_lowered:
.L_overlay_start_2:
0xe9: {  	(tag) =	ssettag $0x2  }
0xea: {  	s0 =	rddreg [dreg:$0x0];
	s2 =	stileid.u32  }
0xeb: {  	s1 =	rddreg [dreg:$0x1];
	p0 =	sne.s32 s2, $0x0  }
0xec: {  	s3 =	rddreg [dreg:$0x2];
	[bflag:$0x3] =	sbarrier.arrive $0xFFFF;
	s2 =	simm.s32 @!p0 $0x1C02  }
0xed: {  	[timem:s3], [sflag:s2] =	dma.local @!p0 [hbm:s0], s1  }
0xee: {  	s0 =	simm.s32 @!p0 $0x2  }
0xef: {  	_ =	swait.ge @!p0 [sflag:s0], s1  }
0xf0: {  	s1 =	ssub.s32 @!p0 $0x0, s1;
	[sflag:s0] =	ssyncset.done @!p0 $0x0  }
0xf1: {  	[sflag:s0] =	ssyncadd.s32 @!p0 s1  }
0xf2: {  	[bflag:$0x3] =	sbarrier.arrive $0xFFFF  }
0xf3: {  	_ =	shalt  }

</sc_bundles>
